<compile_context>
chip_gen: v7x
topology: tpu7x:2x2x1
jax: 0.10.2.dev20260603
libtpu: 0.0.44.dev20260713+nightly
codegen_flags: <defaults>
</compile_context>

<pallas_src>
import functools

import numpy as np

import jax
import jax.numpy as jnp
from jax import lax
from jax.experimental import pallas as pl
from jax.experimental.pallas import tpu as pltpu
from jax.experimental.pallas import tpu_sc as plsc

B, S, D = 4, 8192, 768
K = 256
SB = 512
NW = 32
RPW = (B * K) // NW
CHUNK = 1024
NIDX = B * K + 256 * NW

_INT_MIN = np.int32(-(2**31))
_BITS = [np.int32(np.uint32(1 << i)) for i in range(32)]


def _copy_logits_body(x_ref, wg_ref, out_ref, lg_ref):
    x = x_ref[0]
    out_ref[0] = x
    lg = jax.lax.dot_general(
        x, wg_ref[...],
        dimension_numbers=(((1,), (0,)), ((), ())),
        preferred_element_type=jnp.float32,
    )
    lg_ref[...] = lg.reshape(1, 1, 1, SB)


def _copy_logits(inputs, Wg):
    return pl.pallas_call(
        _copy_logits_body,
        grid=(B, S // SB),
        in_specs=[
            pl.BlockSpec((1, SB, D), lambda b, j: (b, j, 0)),
            pl.BlockSpec((D, 1), lambda b, j: (0, 0)),
        ],
        out_specs=[
            pl.BlockSpec((1, SB, D), lambda b, j: (b, j, 0)),
            pl.BlockSpec((1, 1, 1, SB), lambda b, j: (b, j, 0, 0)),
        ],
        out_shape=[
            jax.ShapeDtypeStruct((B, S, D), jnp.float32),
            jax.ShapeDtypeStruct((B, S // SB, 1, SB), jnp.float32),
        ],
        compiler_params=pltpu.CompilerParams(
            dimension_semantics=("arbitrary", "arbitrary"),
        ),
    )(inputs, Wg)


def _threshold_body(lg_ref, thr_ref, off_ref):
    x = lg_ref[...]
    bits = lax.bitcast_convert_type(x, jnp.int32)
    key = bits ^ ((bits >> 31) & np.int32(0x7FFFFFFF))
    t = jnp.zeros((B, 1, 1, 1), jnp.int32)
    for bit in range(31, -1, -1):
        t2 = t | _BITS[bit]
        cmp = t2 ^ _INT_MIN
        cnt = jnp.sum((key >= cmp).astype(jnp.int32), axis=(1, 2, 3),
                      keepdims=True)
        t = jnp.where(cnt >= K, t2, t)
    tkey = t ^ _INT_MIN
    tbits = tkey ^ ((tkey >> 31) & np.int32(0x7FFFFFFF))
    tf4 = lax.bitcast_convert_type(tbits, jnp.float32)
    tf = tf4.reshape(B, 1)
    lanes = lax.broadcasted_iota(jnp.int32, (B, 16), 1)
    rows = lax.broadcasted_iota(jnp.int32, (B, 16), 0)
    thr_ref[...] = jnp.sum(jnp.where(lanes == rows, tf, 0.0), axis=0,
                           keepdims=True)
    xq = x.reshape(B, 8, 2, 1, SB)
    tf5 = tf4.reshape(B, 1, 1, 1, 1)
    gq = jnp.sum((xq > tf5).astype(jnp.int32), axis=(2, 3, 4))
    eq = jnp.sum((xq == tf5).astype(jnp.int32), axis=(2, 3, 4))
    zero = jnp.zeros((B, 1), jnp.int32)
    gcols, ecols = [zero], [zero]
    grun, erun = zero, zero
    for qq in range(7):
        grun = grun + gq[:, qq:qq + 1]
        erun = erun + eq[:, qq:qq + 1]
        gcols.append(grun)
        ecols.append(erun)
    goff = jnp.concatenate(gcols, axis=1)
    eoff = jnp.concatenate(ecols, axis=1)
    gtot = jnp.broadcast_to(jnp.sum(gq, axis=1, keepdims=True), (B, 8))
    lane3 = lax.broadcasted_iota(jnp.int32, (B, 8, 16), 2)
    g3 = lax.broadcast_in_dim(goff, (B, 8, 16), (0, 1))
    e3 = lax.broadcast_in_dim(eoff, (B, 8, 16), (0, 1))
    t3 = lax.broadcast_in_dim(gtot, (B, 8, 16), (0, 1))
    off_ref[...] = jnp.where(
        lane3 == 0, g3, jnp.where(lane3 == 1, e3,
                                  jnp.where(lane3 == 2, t3, 0)))


def _threshold(logits4):
    return pl.pallas_call(
        _threshold_body,
        out_shape=[
            jax.ShapeDtypeStruct((1, 16), jnp.float32),
            jax.ShapeDtypeStruct((B, 8, 16), jnp.int32),
        ],
    )(logits4)


_SC_MESH = plsc.VectorSubcoreMesh(core_axis_name="c", subcore_axis_name="s")


@functools.partial(
    pl.kernel,
    mesh=_SC_MESH,
    out_type=jax.ShapeDtypeStruct((NIDX,), jnp.int32),
    scratch_types=[
        pltpu.VMEM((CHUNK,), jnp.float32),
        pltpu.VMEM((16,), jnp.float32),
        pltpu.VMEM((16,), jnp.int32),
        pltpu.VMEM((2, 128), jnp.int32),
        pltpu.VMEM((2, 128), jnp.int32),
        pltpu.SemaphoreType.DMA,
    ],
    compiler_params=pltpu.CompilerParams(needs_layout_passes=False),
)
def _sc_compact(lg_hbm, thr_hbm, off_hbm, out_hbm, lgv, thrv, offv, pos2,
                val2, sem):
    c = lax.axis_index("c")
    s = lax.axis_index("s")
    b = c * 2 + s // 8
    q = s % 8
    wid = c * 16 + s
    iota16 = lax.iota(jnp.int32, 16)

    pltpu.sync_copy(lg_hbm.at[b, 2 * q, 0], lgv.at[pl.ds(0, 512)])
    pltpu.sync_copy(lg_hbm.at[b, 2 * q + 1, 0], lgv.at[pl.ds(512, 512)])
    pltpu.sync_copy(thr_hbm, thrv)
    thr = plsc.load_gather(thrv, [jnp.full((16,), 0, jnp.int32) + b])
    pltpu.sync_copy(off_hbm.at[b, q], offv)
    offrow = offv[...]
    gt_off = jnp.sum(jnp.where(iota16 == 0, offrow, 0))
    eq_off = jnp.sum(jnp.where(iota16 == 1, offrow, 0))
    gt_tot = jnp.sum(jnp.where(iota16 == 2, offrow, 0))

    dbase = jnp.int32(B * K) + wid * 256
    for r in range(2):
        for j in range(8):
            pos2[r, pl.ds(j * 16, 16)] = dbase + r * 128 + j * 16 + iota16
    base = b * S + q * CHUNK
    obase = b * K
    kb = K - gt_tot

    def body2(i, carry):
        pg, pe, plp = carry
        v = lgv[pl.ds(i * 16, 16)]
        gvals = base + i * 16 + iota16
        mg = v > thr
        cg = plsc.cumsum(mg.astype(jnp.int32))
        tgt_g = obase + gt_off + pg + cg - 1
        lpos_g = plp + cg - 1
        plsc.store_scatter(val2, [lpos_g >> 7, lpos_g & 127], gvals, mask=mg)
        plsc.store_scatter(pos2, [lpos_g >> 7, lpos_g & 127], tgt_g, mask=mg)
        ng = jnp.sum(mg.astype(jnp.int32))
        plp = plp + ng

        me = v == thr
        ce = plsc.cumsum(me.astype(jnp.int32))
        erank = eq_off + pe + ce - 1
        ma = me & (erank < kb)
        ca = plsc.cumsum(ma.astype(jnp.int32))
        tgt_e = obase + gt_tot + erank
        lpos_e = plp + ca - 1
        plsc.store_scatter(val2, [lpos_e >> 7, lpos_e & 127], gvals, mask=ma)
        plsc.store_scatter(pos2, [lpos_e >> 7, lpos_e & 127], tgt_e, mask=ma)
        na = jnp.sum(ma.astype(jnp.int32))
        ne = jnp.sum(me.astype(jnp.int32))
        return pg + ng, pe + ne, plp + na

    lax.fori_loop(0, CHUNK // 16, body2,
                  (jnp.int32(0), jnp.int32(0), jnp.int32(0)))

    pltpu.async_copy(val2.at[0], out_hbm.at[pos2.at[0]], sem).wait()
    pltpu.async_copy(val2.at[1], out_hbm.at[pos2.at[1]], sem).wait()


@functools.partial(
    pl.kernel,
    mesh=_SC_MESH,
    out_type=jax.ShapeDtypeStruct((B * K, D), jnp.float32),
    scratch_types=[
        pltpu.VMEM((RPW,), jnp.int32),
        pltpu.VMEM((RPW, D), jnp.float32),
        pltpu.SemaphoreType.DMA,
    ],
)
def _sc_gather(table_hbm, idx_hbm, out_hbm, idx_v, rows_v, sem):
    wid = lax.axis_index("s") * 2 + lax.axis_index("c")
    pltpu.sync_copy(idx_hbm.at[pl.ds(wid * RPW, RPW)], idx_v)
    pltpu.async_copy(table_hbm.at[idx_v], rows_v, sem).wait()
    pltpu.sync_copy(rows_v, out_hbm.at[pl.ds(wid * RPW, RPW)])


def _mm_body(r_ref, w_ref, b_ref, o_ref):
    o_ref[...] = (
        jax.lax.dot_general(
            r_ref[...], w_ref[...],
            dimension_numbers=(((1,), (0,)), ((), ())),
            preferred_element_type=jnp.float32,
        )
        + b_ref[...]
    )


def _matmul(rows, Wb, bb2d):
    return pl.pallas_call(
        _mm_body,
        out_shape=jax.ShapeDtypeStruct((B * K, D), jnp.float32),
    )(rows, Wb, bb2d)


@functools.partial(
    pl.kernel,
    mesh=_SC_MESH,
    scratch_types=[
        pltpu.VMEM((RPW,), jnp.int32),
        pltpu.VMEM((RPW, D), jnp.float32),
        pltpu.SemaphoreType.DMA,
    ],
)
def _sc_scatter(idx_hbm, y_hbm, out_hbm, idx_v, rows_v, sem):
    wid = lax.axis_index("s") * 2 + lax.axis_index("c")
    pltpu.sync_copy(idx_hbm.at[pl.ds(wid * RPW, RPW)], idx_v)
    pltpu.sync_copy(y_hbm.at[pl.ds(wid * RPW, RPW)], rows_v)
    pltpu.async_copy(rows_v, out_hbm.at[idx_v], sem).wait()


def kernel(inputs, Wg, bg, Wb, bb):
    del bg
    out0, logits4 = _copy_logits(inputs, Wg)
    thr, offs = _threshold(logits4)
    gidx = _sc_compact(logits4, thr.reshape(16), offs)
    rows = _sc_gather(inputs.reshape(B * S, D), gidx)
    y = _matmul(rows, Wb, bb.reshape(1, D))
    out_ref = jax.new_ref(out0.reshape(B * S, D))
    _sc_scatter(gidx, y, out_ref)
    return out_ref[...].reshape(B, S, D)

# --- scband reference (transcript-rebuilt; emitter-appended) ---
"""Pipeline reference for scband-mixture-of-depth-17360257810706 (READ-ONLY COPY).

The authoritative reference and input builder live on the scoring server;
editing this copy changes nothing except your own understanding.
"""

import jax, jax.numpy as jnp
import numpy as np

CAPACITY = 256

def setup_inputs(seed: int = 0) -> dict:
    key = jax.random.key(seed)
    k1, k2, k3, k4, k5 = jax.random.split(key, 5)
    B, S, D = 4, 8192, 768
    inputs = jax.random.normal(k1, (B, S, D), dtype=jnp.float32)
    # Router gate: nn.Linear(d_model, 1)
    Wg = jax.random.normal(k2, (D, 1), dtype=jnp.float32) * 0.02
    bg = jnp.zeros((1,), dtype=jnp.float32)
    # Block: nn.Linear(d_model, d_model)
    Wb = jax.random.normal(k3, (D, D), dtype=jnp.float32) * 0.02
    bb = jnp.zeros((D,), dtype=jnp.float32)
    return {"inputs": inputs, "Wg": Wg, "bg": bg, "Wb": Wb, "bb": bb}

def reference(inputs, Wg, bg, Wb, bb):
    B, S, D = inputs.shape
    # Router: gate -> softmax over seq dim (dim=1) -> topk per batch row
    logits = inputs @ Wg + bg                      # [B, S, 1]
    probs = jax.nn.softmax(logits, axis=1).reshape(B, S)  # [B, S]
    _, top_k_indices = jax.lax.top_k(probs, CAPACITY)     # [B, capacity]
    bidx = jnp.arange(B)[:, None]                  # [B, 1]
    # Gather selected tokens
    selected_inputs = inputs[bidx, top_k_indices]  # [B, capacity, D]
    # Apply block (linear)
    outputs_of_selected = selected_inputs @ Wb + bb
    # Scatter-overwrite back into the residual stream (in-place write in torch)
    out = inputs.at[bidx, top_k_indices].set(outputs_of_selected)
    return out

if __name__ == "__main__":
    import jax
    _d = setup_inputs()
    print(jax.jit(kernel)(*tuple(_d.values())))

</pallas_src>

<mosaic_0001>
#map = affine_map<(d0, d1) -> (0, 0)>
#map1 = affine_map<(d0, d1) -> (0)>
module attributes {stable_mosaic.version = 14 : i64} {
  func.func @_sc_gather(%arg0: i32, %arg1: i32, %arg2: memref<32768x768xf32, #tpu.memory_space<hbm>>, %arg3: memref<9216xi32, #tpu.memory_space<hbm>>, %arg4: memref<1024x768xf32, #tpu.memory_space<hbm>>, %arg5: memref<32xi32, #tpu.memory_space<vmem>>, %arg6: memref<32x768xf32, #tpu.memory_space<vmem>>, %arg7: memref<!tpu.dma_semaphore, #tpu.memory_space<semaphore_mem>>) attributes {dimension_semantics = [#tpu.dimension_semantics<core_parallel>, #tpu.dimension_semantics<subcore_parallel>], iteration_bounds = array<i64: 2, 16>, scalar_prefetch = 0 : i64, scratch_operands = 3 : i64, tpu.core_type = #tpu.core_type<sc_vector_subcore>, window_params = [{transform_indices = #map}, {transform_indices = #map1}, {transform_indices = #map}]} {
    %mul3A = arith.constant 2 : i32
    %mul3A_0 = arith.muli %arg1, %mul3A : i32
    %add3A = arith.addi %mul3A_0, %arg0 : i32
    %mul3A_1 = arith.constant 32 : i32
    %mul3A_2 = arith.muli %add3A, %mul3A_1 : i32
    "tpu.region"() ({
      %run_scoped3A = tpu.sem_alloc : memref<!tpu.dma_semaphore, #tpu.memory_space<semaphore_mem>>
      %dma_start3A_9 = tpu.memref_slice %arg3[%mul3A_2] : memref<9216xi32, #tpu.memory_space<hbm>> -> memref<32xi32, #tpu.memory_space<hbm>>
      %dma_start3A_10 = tpu.memref_slice %arg3[%mul3A_2] : memref<9216xi32, #tpu.memory_space<hbm>> -> memref<32xi32, #tpu.memory_space<hbm>>
      tpu.enqueue_dma source(%dma_start3A_10 : memref<32xi32, #tpu.memory_space<hbm>>) target(%arg5 : memref<32xi32, #tpu.memory_space<vmem>>) target_semaphore(%run_scoped3A : memref<!tpu.dma_semaphore, #tpu.memory_space<semaphore_mem>>)
      %dma_wait3A_11 = tpu.memref_slice %arg3[%mul3A_2] : memref<9216xi32, #tpu.memory_space<hbm>> -> memref<32xi32, #tpu.memory_space<hbm>>
      %dma_wait3A_12 = tpu.memref_slice %arg3[%mul3A_2] : memref<9216xi32, #tpu.memory_space<hbm>> -> memref<32xi32, #tpu.memory_space<hbm>>
      tpu.wait_dma2 semaphore(%run_scoped3A : memref<!tpu.dma_semaphore, #tpu.memory_space<semaphore_mem>>) src(%dma_wait3A_12 : memref<32xi32, #tpu.memory_space<hbm>>) dst(%arg5 : memref<32xi32, #tpu.memory_space<vmem>>)
      tpu.yield
    }) : () -> ()
    %dma_start3A = arith.constant 0 : i32
    %dma_start3A_3 = arith.constant 0 : i32
    %dma_start3A_4 = tpu.memref_slice %arg2[%dma_start3A, %dma_start3A_3] : memref<32768x768xf32, #tpu.memory_space<hbm>> -> memref<32768x768xf32, #tpu.memory_space<hbm>>
    tpu.enqueue_indirect_dma source(%dma_start3A_4 : memref<32768x768xf32, #tpu.memory_space<hbm>>) target(%arg6 : memref<32x768xf32, #tpu.memory_space<vmem>>) offsets(%arg5 : memref<32xi32, #tpu.memory_space<vmem>>) semaphore(%arg7 : memref<!tpu.dma_semaphore, #tpu.memory_space<semaphore_mem>>)
    %dma_wait3A = arith.constant 0 : i32
    %dma_wait3A_5 = arith.constant 0 : i32
    %dma_wait3A_6 = tpu.memref_slice %arg2[%dma_wait3A, %dma_wait3A_5] : memref<32768x768xf32, #tpu.memory_space<hbm>> -> memref<32768x768xf32, #tpu.memory_space<hbm>>
    tpu.wait_indirect_dma semaphore(%arg7 : memref<!tpu.dma_semaphore, #tpu.memory_space<semaphore_mem>>) src(%dma_wait3A_6 : memref<32768x768xf32, #tpu.memory_space<hbm>>) dst(%arg6 : memref<32x768xf32, #tpu.memory_space<vmem>>)
    %mul3A_7 = arith.constant 32 : i32
    %mul3A_8 = arith.muli %add3A, %mul3A_7 : i32
    "tpu.region"() ({
      %run_scoped3A = tpu.sem_alloc : memref<!tpu.dma_semaphore, #tpu.memory_space<semaphore_mem>>
      %dma_start3A_9 = arith.constant 0 : i32
      %dma_start3A_10 = tpu.memref_slice %arg4[%mul3A_8, %dma_start3A_9] : memref<1024x768xf32, #tpu.memory_space<hbm>> -> memref<32x768xf32, #tpu.memory_space<hbm>>
      %dma_start3A_11 = arith.constant 0 : i32
      %dma_start3A_12 = tpu.memref_slice %arg4[%mul3A_8, %dma_start3A_11] : memref<1024x768xf32, #tpu.memory_space<hbm>> -> memref<32x768xf32, #tpu.memory_space<hbm>>
      tpu.enqueue_dma source(%arg6 : memref<32x768xf32, #tpu.memory_space<vmem>>) target(%dma_start3A_12 : memref<32x768xf32, #tpu.memory_space<hbm>>) target_semaphore(%run_scoped3A : memref<!tpu.dma_semaphore, #tpu.memory_space<semaphore_mem>>)
      %dma_wait3A_13 = arith.constant 0 : i32
      %dma_wait3A_14 = tpu.memref_slice %arg4[%mul3A_8, %dma_wait3A_13] : memref<1024x768xf32, #tpu.memory_space<hbm>> -> memref<32x768xf32, #tpu.memory_space<hbm>>
      %dma_wait3A_15 = arith.constant 0 : i32
      %dma_wait3A_16 = tpu.memref_slice %arg4[%mul3A_8, %dma_wait3A_15] : memref<1024x768xf32, #tpu.memory_space<hbm>> -> memref<32x768xf32, #tpu.memory_space<hbm>>
      tpu.wait_dma2 semaphore(%run_scoped3A : memref<!tpu.dma_semaphore, #tpu.memory_space<semaphore_mem>>) src(%arg6 : memref<32x768xf32, #tpu.memory_space<vmem>>) dst(%dma_wait3A_16 : memref<32x768xf32, #tpu.memory_space<hbm>>)
      tpu.yield
    }) : () -> ()
    return
  }
}

#map = affine_map<(d0, d1) -> (0, 0, 0, 0)>
#map1 = affine_map<(d0, d1) -> (0)>
#map2 = affine_map<(d0, d1) -> (0, 0, 0)>
module attributes {stable_mosaic.version = 14 : i64} {
  func.func @_sc_compact(%arg0: i32, %arg1: i32, %arg2: memref<4x16x1x512xf32, #tpu.memory_space<hbm>>, %arg3: memref<16xf32, #tpu.memory_space<hbm>>, %arg4: memref<4x8x16xi32, #tpu.memory_space<hbm>>, %arg5: memref<9216xi32, #tpu.memory_space<hbm>>, %arg6: memref<1024xf32, #tpu.memory_space<vmem>>, %arg7: memref<16xf32, #tpu.memory_space<vmem>>, %arg8: memref<16xi32, #tpu.memory_space<vmem>>, %arg9: memref<2x128xi32, #tpu.memory_space<vmem>>, %arg10: memref<2x128xi32, #tpu.memory_space<vmem>>, %arg11: memref<!tpu.dma_semaphore, #tpu.memory_space<semaphore_mem>>) attributes {dimension_semantics = [#tpu.dimension_semantics<core_parallel>, #tpu.dimension_semantics<subcore_parallel>], iteration_bounds = array<i64: 2, 16>, scalar_prefetch = 0 : i64, scratch_operands = 6 : i64, tpu.core_type = #tpu.core_type<sc_vector_subcore>, window_params = [{transform_indices = #map}, {transform_indices = #map1}, {transform_indices = #map2}, {transform_indices = #map1}]} {
    %mul3A = arith.constant 2 : i32
    %mul3A_0 = arith.muli %arg0, %mul3A : i32
    %jit3A = arith.constant 8 : i32
    %div3A = arith.divsi %arg1, %jit3A : i32
    %sign3A = arith.constant 0 : i32
    %sign3A_1 = arith.cmpi sgt, %arg1, %sign3A : i32
    %sign3A_2 = arith.extui %sign3A_1 : i1 to i32
    %sign3A_3 = arith.constant 0 : i32
    %sign3A_4 = arith.cmpi slt, %arg1, %sign3A_3 : i32
    %sign3A_5 = arith.extui %sign3A_4 : i1 to i32
    %sign3A_6 = arith.subi %sign3A_2, %sign3A_5 : i32
    %sign3A_7 = arith.constant 0 : i32
    %sign3A_8 = arith.cmpi sgt, %jit3A, %sign3A_7 : i32
    %sign3A_9 = arith.extui %sign3A_8 : i1 to i32
    %sign3A_10 = arith.constant 0 : i32
    %sign3A_11 = arith.cmpi slt, %jit3A, %sign3A_10 : i32
    %sign3A_12 = arith.extui %sign3A_11 : i1 to i32
    %sign3A_13 = arith.subi %sign3A_9, %sign3A_12 : i32
    %ne3A = arith.cmpi ne, %sign3A_6, %sign3A_13 : i32
    %rem3A = arith.remsi %arg1, %jit3A : i32
    %ne3A_14 = arith.constant 0 : i32
    %ne3A_15 = arith.cmpi ne, %rem3A, %ne3A_14 : i32
    %and3A = arith.andi %ne3A, %ne3A_15 : i1
    %sub3A = arith.constant 1 : i32
    %sub3A_16 = arith.subi %div3A, %sub3A : i32
    %select_n3A = arith.select %and3A, %sub3A_16, %div3A : i32
    %add3A = arith.addi %mul3A_0, %select_n3A : i32
    %jit3A_17 = arith.constant 8 : i32
    %eq3A = arith.constant 0 : i32
    %eq3A_18 = arith.cmpi eq, %jit3A_17, %eq3A : i32
    %jit3A_19 = arith.constant 1 : i32
    %select_n3A_20 = arith.select %eq3A_18, %jit3A_19, %jit3A_17 : i32
    %rem3A_21 = arith.remsi %arg1, %select_n3A_20 : i32
    %ne3A_22 = arith.constant 0 : i32
    %ne3A_23 = arith.cmpi ne, %rem3A_21, %ne3A_22 : i32
    %lt3A = arith.constant 0 : i32
    %lt3A_24 = arith.cmpi slt, %rem3A_21, %lt3A : i32
    %lt3A_25 = arith.constant 0 : i32
    %lt3A_26 = arith.cmpi slt, %select_n3A_20, %lt3A_25 : i32
    %ne3A_27 = arith.xori %lt3A_24, %lt3A_26 : i1
    %and3A_28 = arith.andi %ne3A_27, %ne3A_23 : i1
    %add3A_29 = arith.addi %rem3A_21, %select_n3A_20 : i32
    %select_n3A_30 = arith.select %and3A_28, %add3A_29, %rem3A_21 : i32
    %mul3A_31 = arith.constant 16 : i32
    %mul3A_32 = arith.muli %arg0, %mul3A_31 : i32
    %add3A_33 = arith.addi %mul3A_32, %arg1 : i32
    %iota3A = tpu.iota {dimensions = array<i32: 0>} : vector<16xi32>
    %mul3A_34 = arith.constant 2 : i32
    %mul3A_35 = arith.muli %mul3A_34, %select_n3A_30 : i32
    %run_scoped3A = arith.constant 0 : i32
    "tpu.region"() ({
      %run_scoped3A_292 = tpu.sem_alloc : memref<!tpu.dma_semaphore, #tpu.memory_space<semaphore_mem>>
      %dma_start3A_293 = arith.constant 0 : i32
      %dma_start3A_294 = tpu.memref_slice %arg6[%dma_start3A_293] : memref<1024xf32, #tpu.memory_space<vmem>> -> memref<512xf32, #tpu.memory_space<vmem>>
      %dma_start3A_295 = arith.constant 0 : i32
      %dma_start3A_296 = tpu.memref_slice %arg2[%add3A, %mul3A_35, %run_scoped3A, %dma_start3A_295] : memref<4x16x1x512xf32, #tpu.memory_space<hbm>> -> memref<1x1x1x512xf32, #tpu.memory_space<hbm>>
      %dma_start3A_297 = tpu.memref_squeeze %dma_start3A_296 : memref<1x1x1x512xf32, #tpu.memory_space<hbm>> -> memref<512xf32, #tpu.memory_space<hbm>>
      %dma_start3A_298 = arith.constant 0 : i32
      %dma_start3A_299 = tpu.memref_slice %arg6[%dma_start3A_298] : memref<1024xf32, #tpu.memory_space<vmem>> -> memref<512xf32, #tpu.memory_space<vmem>>
      %dma_start3A_300 = arith.constant 0 : i32
      %dma_start3A_301 = tpu.memref_slice %arg2[%add3A, %mul3A_35, %run_scoped3A, %dma_start3A_300] : memref<4x16x1x512xf32, #tpu.memory_space<hbm>> -> memref<1x1x1x512xf32, #tpu.memory_space<hbm>>
      %dma_start3A_302 = tpu.memref_squeeze %dma_start3A_301 : memref<1x1x1x512xf32, #tpu.memory_space<hbm>> -> memref<512xf32, #tpu.memory_space<hbm>>
      tpu.enqueue_dma source(%dma_start3A_302 : memref<512xf32, #tpu.memory_space<hbm>>) target(%dma_start3A_299 : memref<512xf32, #tpu.memory_space<vmem>>) target_semaphore(%run_scoped3A_292 : memref<!tpu.dma_semaphore, #tpu.memory_space<semaphore_mem>>)
      %dma_wait3A_303 = arith.constant 0 : i32
      %dma_wait3A_304 = tpu.memref_slice %arg6[%dma_wait3A_303] : memref<1024xf32, #tpu.memory_space<vmem>> -> memref<512xf32, #tpu.memory_space<vmem>>
      %dma_wait3A_305 = arith.constant 0 : i32
      %dma_wait3A_306 = tpu.memref_slice %arg2[%add3A, %mul3A_35, %run_scoped3A, %dma_wait3A_305] : memref<4x16x1x512xf32, #tpu.memory_space<hbm>> -> memref<1x1x1x512xf32, #tpu.memory_space<hbm>>
      %dma_wait3A_307 = tpu.memref_squeeze %dma_wait3A_306 : memref<1x1x1x512xf32, #tpu.memory_space<hbm>> -> memref<512xf32, #tpu.memory_space<hbm>>
      %dma_wait3A_308 = arith.constant 0 : i32
      %dma_wait3A_309 = tpu.memref_slice %arg6[%dma_wait3A_308] : memref<1024xf32, #tpu.memory_space<vmem>> -> memref<512xf32, #tpu.memory_space<vmem>>
      %dma_wait3A_310 = arith.constant 0 : i32
      %dma_wait3A_311 = tpu.memref_slice %arg2[%add3A, %mul3A_35, %run_scoped3A, %dma_wait3A_310] : memref<4x16x1x512xf32, #tpu.memory_space<hbm>> -> memref<1x1x1x512xf32, #tpu.memory_space<hbm>>
      %dma_wait3A_312 = tpu.memref_squeeze %dma_wait3A_311 : memref<1x1x1x512xf32, #tpu.memory_space<hbm>> -> memref<512xf32, #tpu.memory_space<hbm>>
      tpu.wait_dma2 semaphore(%run_scoped3A_292 : memref<!tpu.dma_semaphore, #tpu.memory_space<semaphore_mem>>) src(%dma_wait3A_312 : memref<512xf32, #tpu.memory_space<hbm>>) dst(%dma_wait3A_309 : memref<512xf32, #tpu.memory_space<vmem>>)
      tpu.yield
    }) : () -> ()
    %mul3A_36 = arith.constant 2 : i32
    %mul3A_37 = arith.muli %mul3A_36, %select_n3A_30 : i32
    %add3A_38 = arith.constant 1 : i32
    %add3A_39 = arith.addi %mul3A_37, %add3A_38 : i32
    %run_scoped3A_40 = arith.constant 0 : i32
    "tpu.region"() ({
      %run_scoped3A_292 = tpu.sem_alloc : memref<!tpu.dma_semaphore, #tpu.memory_space<semaphore_mem>>
      %dma_start3A_293 = arith.constant 512 : i32
      %dma_start3A_294 = tpu.memref_slice %arg6[%dma_start3A_293] : memref<1024xf32, #tpu.memory_space<vmem>> -> memref<512xf32, #tpu.memory_space<vmem>>
      %dma_start3A_295 = arith.constant 0 : i32
      %dma_start3A_296 = tpu.memref_slice %arg2[%add3A, %add3A_39, %run_scoped3A_40, %dma_start3A_295] : memref<4x16x1x512xf32, #tpu.memory_space<hbm>> -> memref<1x1x1x512xf32, #tpu.memory_space<hbm>>
      %dma_start3A_297 = tpu.memref_squeeze %dma_start3A_296 : memref<1x1x1x512xf32, #tpu.memory_space<hbm>> -> memref<512xf32, #tpu.memory_space<hbm>>
      %dma_start3A_298 = arith.constant 512 : i32
      %dma_start3A_299 = tpu.memref_slice %arg6[%dma_start3A_298] : memref<1024xf32, #tpu.memory_space<vmem>> -> memref<512xf32, #tpu.memory_space<vmem>>
      %dma_start3A_300 = arith.constant 0 : i32
      %dma_start3A_301 = tpu.memref_slice %arg2[%add3A, %add3A_39, %run_scoped3A_40, %dma_start3A_300] : memref<4x16x1x512xf32, #tpu.memory_space<hbm>> -> memref<1x1x1x512xf32, #tpu.memory_space<hbm>>
      %dma_start3A_302 = tpu.memref_squeeze %dma_start3A_301 : memref<1x1x1x512xf32, #tpu.memory_space<hbm>> -> memref<512xf32, #tpu.memory_space<hbm>>
      tpu.enqueue_dma source(%dma_start3A_302 : memref<512xf32, #tpu.memory_space<hbm>>) target(%dma_start3A_299 : memref<512xf32, #tpu.memory_space<vmem>>) target_semaphore(%run_scoped3A_292 : memref<!tpu.dma_semaphore, #tpu.memory_space<semaphore_mem>>)
      %dma_wait3A_303 = arith.constant 512 : i32
      %dma_wait3A_304 = tpu.memref_slice %arg6[%dma_wait3A_303] : memref<1024xf32, #tpu.memory_space<vmem>> -> memref<512xf32, #tpu.memory_space<vmem>>
      %dma_wait3A_305 = arith.constant 0 : i32
      %dma_wait3A_306 = tpu.memref_slice %arg2[%add3A, %add3A_39, %run_scoped3A_40, %dma_wait3A_305] : memref<4x16x1x512xf32, #tpu.memory_space<hbm>> -> memref<1x1x1x512xf32, #tpu.memory_space<hbm>>
      %dma_wait3A_307 = tpu.memref_squeeze %dma_wait3A_306 : memref<1x1x1x512xf32, #tpu.memory_space<hbm>> -> memref<512xf32, #tpu.memory_space<hbm>>
      %dma_wait3A_308 = arith.constant 512 : i32
      %dma_wait3A_309 = tpu.memref_slice %arg6[%dma_wait3A_308] : memref<1024xf32, #tpu.memory_space<vmem>> -> memref<512xf32, #tpu.memory_space<vmem>>
      %dma_wait3A_310 = arith.constant 0 : i32
      %dma_wait3A_311 = tpu.memref_slice %arg2[%add3A, %add3A_39, %run_scoped3A_40, %dma_wait3A_310] : memref<4x16x1x512xf32, #tpu.memory_space<hbm>> -> memref<1x1x1x512xf32, #tpu.memory_space<hbm>>
      %dma_wait3A_312 = tpu.memref_squeeze %dma_wait3A_311 : memref<1x1x1x512xf32, #tpu.memory_space<hbm>> -> memref<512xf32, #tpu.memory_space<hbm>>
      tpu.wait_dma2 semaphore(%run_scoped3A_292 : memref<!tpu.dma_semaphore, #tpu.memory_space<semaphore_mem>>) src(%dma_wait3A_312 : memref<512xf32, #tpu.memory_space<hbm>>) dst(%dma_wait3A_309 : memref<512xf32, #tpu.memory_space<vmem>>)
      tpu.yield
    }) : () -> ()
    "tpu.region"() ({
      %run_scoped3A_292 = tpu.sem_alloc : memref<!tpu.dma_semaphore, #tpu.memory_space<semaphore_mem>>
      tpu.enqueue_dma source(%arg3 : memref<16xf32, #tpu.memory_space<hbm>>) target(%arg7 : memref<16xf32, #tpu.memory_space<vmem>>) target_semaphore(%run_scoped3A_292 : memref<!tpu.dma_semaphore, #tpu.memory_space<semaphore_mem>>)
      tpu.wait_dma2 semaphore(%run_scoped3A_292 : memref<!tpu.dma_semaphore, #tpu.memory_space<semaphore_mem>>) src(%arg3 : memref<16xf32, #tpu.memory_space<hbm>>) dst(%arg7 : memref<16xf32, #tpu.memory_space<vmem>>)
      tpu.yield
    }) : () -> ()
    %broadcast_in_dim3A = arith.constant 0 : i32
    %broadcast_in_dim3A_41 = vector.broadcast %broadcast_in_dim3A : i32 to vector<16xi32>
    %add3A_42 = vector.broadcast %add3A : i32 to vector<16xi32>
    %add3A_43 = arith.addi %broadcast_in_dim3A_41, %add3A_42 : vector<16xi32>
    %gather3A = tpu.vector_load_idx %arg7[%add3A_43] : memref<16xf32, #tpu.memory_space<vmem>>[vector<16xi32>], vector<16xf32>,
    "tpu.region"() ({
      %run_scoped3A_292 = tpu.sem_alloc : memref<!tpu.dma_semaphore, #tpu.memory_space<semaphore_mem>>
      %dma_start3A_293 = arith.constant 0 : i32
      %dma_start3A_294 = tpu.memref_slice %arg4[%add3A, %select_n3A_30, %dma_start3A_293] : memref<4x8x16xi32, #tpu.memory_space<hbm>> -> memref<1x1x16xi32, #tpu.memory_space<hbm>>
      %dma_start3A_295 = tpu.memref_squeeze %dma_start3A_294 : memref<1x1x16xi32, #tpu.memory_space<hbm>> -> memref<16xi32, #tpu.memory_space<hbm>>
      %dma_start3A_296 = arith.constant 0 : i32
      %dma_start3A_297 = tpu.memref_slice %arg4[%add3A, %select_n3A_30, %dma_start3A_296] : memref<4x8x16xi32, #tpu.memory_space<hbm>> -> memref<1x1x16xi32, #tpu.memory_space<hbm>>
      %dma_start3A_298 = tpu.memref_squeeze %dma_start3A_297 : memref<1x1x16xi32, #tpu.memory_space<hbm>> -> memref<16xi32, #tpu.memory_space<hbm>>
      tpu.enqueue_dma source(%dma_start3A_298 : memref<16xi32, #tpu.memory_space<hbm>>) target(%arg8 : memref<16xi32, #tpu.memory_space<vmem>>) target_semaphore(%run_scoped3A_292 : memref<!tpu.dma_semaphore, #tpu.memory_space<semaphore_mem>>)
      %dma_wait3A_299 = arith.constant 0 : i32
      %dma_wait3A_300 = tpu.memref_slice %arg4[%add3A, %select_n3A_30, %dma_wait3A_299] : memref<4x8x16xi32, #tpu.memory_space<hbm>> -> memref<1x1x16xi32, #tpu.memory_space<hbm>>
      %dma_wait3A_301 = tpu.memref_squeeze %dma_wait3A_300 : memref<1x1x16xi32, #tpu.memory_space<hbm>> -> memref<16xi32, #tpu.memory_space<hbm>>
      %dma_wait3A_302 = arith.constant 0 : i32
      %dma_wait3A_303 = tpu.memref_slice %arg4[%add3A, %select_n3A_30, %dma_wait3A_302] : memref<4x8x16xi32, #tpu.memory_space<hbm>> -> memref<1x1x16xi32, #tpu.memory_space<hbm>>
      %dma_wait3A_304 = tpu.memref_squeeze %dma_wait3A_303 : memref<1x1x16xi32, #tpu.memory_space<hbm>> -> memref<16xi32, #tpu.memory_space<hbm>>
      tpu.wait_dma2 semaphore(%run_scoped3A_292 : memref<!tpu.dma_semaphore, #tpu.memory_space<semaphore_mem>>) src(%dma_wait3A_304 : memref<16xi32, #tpu.memory_space<hbm>>) dst(%arg8 : memref<16xi32, #tpu.memory_space<vmem>>)
      tpu.yield
    }) : () -> ()
    %get3A = arith.constant 0 : index
    %get3A_44 = tpu.vector_load %arg8[%get3A] {strides = array<i32>} : memref<16xi32, #tpu.memory_space<vmem>>, vector<16xi32>,
    %eq3A_45 = arith.constant 0 : i32
    %eq3A_46 = vector.broadcast %eq3A_45 : i32 to vector<16xi32>
    %eq3A_47 = arith.cmpi eq, %iota3A, %eq3A_46 : vector<16xi32>
    %jit3A_48 = arith.constant 0 : i32
    %broadcast_in_dim3A_49 = vector.broadcast %jit3A_48 : i32 to vector<16xi32>
    %select_n3A_50 = arith.select %eq3A_47, %get3A_44, %broadcast_in_dim3A_49 : vector<16xi1>, vector<16xi32>
    %reduce_sum3A = arith.constant true
    %reduce_sum3A_51 = vector.broadcast %reduce_sum3A : i1 to vector<16xi1>
    %reduce_sum3A_52 = tpu.scan <sum>, %select_n3A_50 masked %reduce_sum3A_51 : vector<16xi32>, vector<16xi1> -> vector<16xi32>
    %reduce_sum3A_53 = vector.extract %reduce_sum3A_52[15] : i32 from vector<16xi32>
    %eq3A_54 = arith.constant 1 : i32
    %eq3A_55 = vector.broadcast %eq3A_54 : i32 to vector<16xi32>
    %eq3A_56 = arith.cmpi eq, %iota3A, %eq3A_55 : vector<16xi32>
    %jit3A_57 = arith.constant 0 : i32
    %broadcast_in_dim3A_58 = vector.broadcast %jit3A_57 : i32 to vector<16xi32>
    %select_n3A_59 = arith.select %eq3A_56, %get3A_44, %broadcast_in_dim3A_58 : vector<16xi1>, vector<16xi32>
    %reduce_sum3A_60 = arith.constant true
    %reduce_sum3A_61 = vector.broadcast %reduce_sum3A_60 : i1 to vector<16xi1>
    %reduce_sum3A_62 = tpu.scan <sum>, %select_n3A_59 masked %reduce_sum3A_61 : vector<16xi32>, vector<16xi1> -> vector<16xi32>
    %reduce_sum3A_63 = vector.extract %reduce_sum3A_62[15] : i32 from vector<16xi32>
    %eq3A_64 = arith.constant 2 : i32
    %eq3A_65 = vector.broadcast %eq3A_64 : i32 to vector<16xi32>
    %eq3A_66 = arith.cmpi eq, %iota3A, %eq3A_65 : vector<16xi32>
    %jit3A_67 = arith.constant 0 : i32
    %broadcast_in_dim3A_68 = vector.broadcast %jit3A_67 : i32 to vector<16xi32>
    %select_n3A_69 = arith.select %eq3A_66, %get3A_44, %broadcast_in_dim3A_68 : vector<16xi1>, vector<16xi32>
    %reduce_sum3A_70 = arith.constant true
    %reduce_sum3A_71 = vector.broadcast %reduce_sum3A_70 : i1 to vector<16xi1>
    %reduce_sum3A_72 = tpu.scan <sum>, %select_n3A_69 masked %reduce_sum3A_71 : vector<16xi32>, vector<16xi1> -> vector<16xi32>
    %reduce_sum3A_73 = vector.extract %reduce_sum3A_72[15] : i32 from vector<16xi32>
    %mul3A_74 = arith.constant 256 : i32
    %mul3A_75 = arith.muli %add3A_33, %mul3A_74 : i32
    %add3A_76 = arith.constant 1024 : i32
    %add3A_77 = arith.addi %add3A_76, %mul3A_75 : i32
    %add3A_78 = arith.constant 0 : i32
    %add3A_79 = arith.addi %add3A_77, %add3A_78 : i32
    %add3A_80 = arith.constant 0 : i32
    %add3A_81 = arith.addi %add3A_79, %add3A_80 : i32
    %add3A_82 = vector.broadcast %add3A_81 : i32 to vector<16xi32>
    %add3A_83 = arith.addi %add3A_82, %iota3A : vector<16xi32>
    %swap3A = arith.constant 0 : i32
    %swap3A_84 = arith.index_cast %swap3A : i32 to index
    %swap3A_85 = arith.constant 0 : index
    %swap3A_86 = tpu.vector_load %arg9[%swap3A_84, %swap3A_85] {strides = array<i32>} : memref<2x128xi32, #tpu.memory_space<vmem>>, vector<16xi32>,
    tpu.vector_store %arg9[%swap3A_84, %swap3A_85], %add3A_83 {strides = array<i32>} : memref<2x128xi32, #tpu.memory_space<vmem>>, vector<16xi32>,
    %add3A_87 = arith.constant 0 : i32
    %add3A_88 = arith.addi %add3A_77, %add3A_87 : i32
    %add3A_89 = arith.constant 16 : i32
    %add3A_90 = arith.addi %add3A_88, %add3A_89 : i32
    %add3A_91 = vector.broadcast %add3A_90 : i32 to vector<16xi32>
    %add3A_92 = arith.addi %add3A_91, %iota3A : vector<16xi32>
    %swap3A_93 = arith.constant 0 : i32
    %swap3A_94 = arith.index_cast %swap3A_93 : i32 to index
    %swap3A_95 = arith.constant 16 : index
    %swap3A_96 = tpu.vector_load %arg9[%swap3A_94, %swap3A_95] {strides = array<i32>} : memref<2x128xi32, #tpu.memory_space<vmem>>, vector<16xi32>,
    tpu.vector_store %arg9[%swap3A_94, %swap3A_95], %add3A_92 {strides = array<i32>} : memref<2x128xi32, #tpu.memory_space<vmem>>, vector<16xi32>,
    %add3A_97 = arith.constant 0 : i32
    %add3A_98 = arith.addi %add3A_77, %add3A_97 : i32
    %add3A_99 = arith.constant 32 : i32
    %add3A_100 = arith.addi %add3A_98, %add3A_99 : i32
    %add3A_101 = vector.broadcast %add3A_100 : i32 to vector<16xi32>
    %add3A_102 = arith.addi %add3A_101, %iota3A : vector<16xi32>
    %swap3A_103 = arith.constant 0 : i32
    %swap3A_104 = arith.index_cast %swap3A_103 : i32 to index
    %swap3A_105 = arith.constant 32 : index
    %swap3A_106 = tpu.vector_load %arg9[%swap3A_104, %swap3A_105] {strides = array<i32>} : memref<2x128xi32, #tpu.memory_space<vmem>>, vector<16xi32>,
    tpu.vector_store %arg9[%swap3A_104, %swap3A_105], %add3A_102 {strides = array<i32>} : memref<2x128xi32, #tpu.memory_space<vmem>>, vector<16xi32>,
    %add3A_107 = arith.constant 0 : i32
    %add3A_108 = arith.addi %add3A_77, %add3A_107 : i32
    %add3A_109 = arith.constant 48 : i32
    %add3A_110 = arith.addi %add3A_108, %add3A_109 : i32
    %add3A_111 = vector.broadcast %add3A_110 : i32 to vector<16xi32>
    %add3A_112 = arith.addi %add3A_111, %iota3A : vector<16xi32>
    %swap3A_113 = arith.constant 0 : i32
    %swap3A_114 = arith.index_cast %swap3A_113 : i32 to index
    %swap3A_115 = arith.constant 48 : index
    %swap3A_116 = tpu.vector_load %arg9[%swap3A_114, %swap3A_115] {strides = array<i32>} : memref<2x128xi32, #tpu.memory_space<vmem>>, vector<16xi32>,
    tpu.vector_store %arg9[%swap3A_114, %swap3A_115], %add3A_112 {strides = array<i32>} : memref<2x128xi32, #tpu.memory_space<vmem>>, vector<16xi32>,
    %add3A_117 = arith.constant 0 : i32
    %add3A_118 = arith.addi %add3A_77, %add3A_117 : i32
    %add3A_119 = arith.constant 64 : i32
    %add3A_120 = arith.addi %add3A_118, %add3A_119 : i32
    %add3A_121 = vector.broadcast %add3A_120 : i32 to vector<16xi32>
    %add3A_122 = arith.addi %add3A_121, %iota3A : vector<16xi32>
    %swap3A_123 = arith.constant 0 : i32
    %swap3A_124 = arith.index_cast %swap3A_123 : i32 to index
    %swap3A_125 = arith.constant 64 : index
    %swap3A_126 = tpu.vector_load %arg9[%swap3A_124, %swap3A_125] {strides = array<i32>} : memref<2x128xi32, #tpu.memory_space<vmem>>, vector<16xi32>,
    tpu.vector_store %arg9[%swap3A_124, %swap3A_125], %add3A_122 {strides = array<i32>} : memref<2x128xi32, #tpu.memory_space<vmem>>, vector<16xi32>,
    %add3A_127 = arith.constant 0 : i32
    %add3A_128 = arith.addi %add3A_77, %add3A_127 : i32
    %add3A_129 = arith.constant 80 : i32
    %add3A_130 = arith.addi %add3A_128, %add3A_129 : i32
    %add3A_131 = vector.broadcast %add3A_130 : i32 to vector<16xi32>
    %add3A_132 = arith.addi %add3A_131, %iota3A : vector<16xi32>
    %swap3A_133 = arith.constant 0 : i32
    %swap3A_134 = arith.index_cast %swap3A_133 : i32 to index
    %swap3A_135 = arith.constant 80 : index
    %swap3A_136 = tpu.vector_load %arg9[%swap3A_134, %swap3A_135] {strides = array<i32>} : memref<2x128xi32, #tpu.memory_space<vmem>>, vector<16xi32>,
    tpu.vector_store %arg9[%swap3A_134, %swap3A_135], %add3A_132 {strides = array<i32>} : memref<2x128xi32, #tpu.memory_space<vmem>>, vector<16xi32>,
    %add3A_137 = arith.constant 0 : i32
    %add3A_138 = arith.addi %add3A_77, %add3A_137 : i32
    %add3A_139 = arith.constant 96 : i32
    %add3A_140 = arith.addi %add3A_138, %add3A_139 : i32
    %add3A_141 = vector.broadcast %add3A_140 : i32 to vector<16xi32>
    %add3A_142 = arith.addi %add3A_141, %iota3A : vector<16xi32>
    %swap3A_143 = arith.constant 0 : i32
    %swap3A_144 = arith.index_cast %swap3A_143 : i32 to index
    %swap3A_145 = arith.constant 96 : index
    %swap3A_146 = tpu.vector_load %arg9[%swap3A_144, %swap3A_145] {strides = array<i32>} : memref<2x128xi32, #tpu.memory_space<vmem>>, vector<16xi32>,
    tpu.vector_store %arg9[%swap3A_144, %swap3A_145], %add3A_142 {strides = array<i32>} : memref<2x128xi32, #tpu.memory_space<vmem>>, vector<16xi32>,
    %add3A_147 = arith.constant 0 : i32
    %add3A_148 = arith.addi %add3A_77, %add3A_147 : i32
    %add3A_149 = arith.constant 112 : i32
    %add3A_150 = arith.addi %add3A_148, %add3A_149 : i32
    %add3A_151 = vector.broadcast %add3A_150 : i32 to vector<16xi32>
    %add3A_152 = arith.addi %add3A_151, %iota3A : vector<16xi32>
    %swap3A_153 = arith.constant 0 : i32
    %swap3A_154 = arith.index_cast %swap3A_153 : i32 to index
    %swap3A_155 = arith.constant 112 : index
    %swap3A_156 = tpu.vector_load %arg9[%swap3A_154, %swap3A_155] {strides = array<i32>} : memref<2x128xi32, #tpu.memory_space<vmem>>, vector<16xi32>,
    tpu.vector_store %arg9[%swap3A_154, %swap3A_155], %add3A_152 {strides = array<i32>} : memref<2x128xi32, #tpu.memory_space<vmem>>, vector<16xi32>,
    %add3A_157 = arith.constant 128 : i32
    %add3A_158 = arith.addi %add3A_77, %add3A_157 : i32
    %add3A_159 = arith.constant 0 : i32
    %add3A_160 = arith.addi %add3A_158, %add3A_159 : i32
    %add3A_161 = vector.broadcast %add3A_160 : i32 to vector<16xi32>
    %add3A_162 = arith.addi %add3A_161, %iota3A : vector<16xi32>
    %swap3A_163 = arith.constant 1 : i32
    %swap3A_164 = arith.index_cast %swap3A_163 : i32 to index
    %swap3A_165 = arith.constant 0 : index
    %swap3A_166 = tpu.vector_load %arg9[%swap3A_164, %swap3A_165] {strides = array<i32>} : memref<2x128xi32, #tpu.memory_space<vmem>>, vector<16xi32>,
    tpu.vector_store %arg9[%swap3A_164, %swap3A_165], %add3A_162 {strides = array<i32>} : memref<2x128xi32, #tpu.memory_space<vmem>>, vector<16xi32>,
    %add3A_167 = arith.constant 128 : i32
    %add3A_168 = arith.addi %add3A_77, %add3A_167 : i32
    %add3A_169 = arith.constant 16 : i32
    %add3A_170 = arith.addi %add3A_168, %add3A_169 : i32
    %add3A_171 = vector.broadcast %add3A_170 : i32 to vector<16xi32>
    %add3A_172 = arith.addi %add3A_171, %iota3A : vector<16xi32>
    %swap3A_173 = arith.constant 1 : i32
    %swap3A_174 = arith.index_cast %swap3A_173 : i32 to index
    %swap3A_175 = arith.constant 16 : index
    %swap3A_176 = tpu.vector_load %arg9[%swap3A_174, %swap3A_175] {strides = array<i32>} : memref<2x128xi32, #tpu.memory_space<vmem>>, vector<16xi32>,
    tpu.vector_store %arg9[%swap3A_174, %swap3A_175], %add3A_172 {strides = array<i32>} : memref<2x128xi32, #tpu.memory_space<vmem>>, vector<16xi32>,
    %add3A_177 = arith.constant 128 : i32
    %add3A_178 = arith.addi %add3A_77, %add3A_177 : i32
    %add3A_179 = arith.constant 32 : i32
    %add3A_180 = arith.addi %add3A_178, %add3A_179 : i32
    %add3A_181 = vector.broadcast %add3A_180 : i32 to vector<16xi32>
    %add3A_182 = arith.addi %add3A_181, %iota3A : vector<16xi32>
    %swap3A_183 = arith.constant 1 : i32
    %swap3A_184 = arith.index_cast %swap3A_183 : i32 to index
    %swap3A_185 = arith.constant 32 : index
    %swap3A_186 = tpu.vector_load %arg9[%swap3A_184, %swap3A_185] {strides = array<i32>} : memref<2x128xi32, #tpu.memory_space<vmem>>, vector<16xi32>,
    tpu.vector_store %arg9[%swap3A_184, %swap3A_185], %add3A_182 {strides = array<i32>} : memref<2x128xi32, #tpu.memory_space<vmem>>, vector<16xi32>,
    %add3A_187 = arith.constant 128 : i32
    %add3A_188 = arith.addi %add3A_77, %add3A_187 : i32
    %add3A_189 = arith.constant 48 : i32
    %add3A_190 = arith.addi %add3A_188, %add3A_189 : i32
    %add3A_191 = vector.broadcast %add3A_190 : i32 to vector<16xi32>
    %add3A_192 = arith.addi %add3A_191, %iota3A : vector<16xi32>
    %swap3A_193 = arith.constant 1 : i32
    %swap3A_194 = arith.index_cast %swap3A_193 : i32 to index
    %swap3A_195 = arith.constant 48 : index
    %swap3A_196 = tpu.vector_load %arg9[%swap3A_194, %swap3A_195] {strides = array<i32>} : memref<2x128xi32, #tpu.memory_space<vmem>>, vector<16xi32>,
    tpu.vector_store %arg9[%swap3A_194, %swap3A_195], %add3A_192 {strides = array<i32>} : memref<2x128xi32, #tpu.memory_space<vmem>>, vector<16xi32>,
    %add3A_197 = arith.constant 128 : i32
    %add3A_198 = arith.addi %add3A_77, %add3A_197 : i32
    %add3A_199 = arith.constant 64 : i32
    %add3A_200 = arith.addi %add3A_198, %add3A_199 : i32
    %add3A_201 = vector.broadcast %add3A_200 : i32 to vector<16xi32>
    %add3A_202 = arith.addi %add3A_201, %iota3A : vector<16xi32>
    %swap3A_203 = arith.constant 1 : i32
    %swap3A_204 = arith.index_cast %swap3A_203 : i32 to index
    %swap3A_205 = arith.constant 64 : index
    %swap3A_206 = tpu.vector_load %arg9[%swap3A_204, %swap3A_205] {strides = array<i32>} : memref<2x128xi32, #tpu.memory_space<vmem>>, vector<16xi32>,
    tpu.vector_store %arg9[%swap3A_204, %swap3A_205], %add3A_202 {strides = array<i32>} : memref<2x128xi32, #tpu.memory_space<vmem>>, vector<16xi32>,
    %add3A_207 = arith.constant 128 : i32
    %add3A_208 = arith.addi %add3A_77, %add3A_207 : i32
    %add3A_209 = arith.constant 80 : i32
    %add3A_210 = arith.addi %add3A_208, %add3A_209 : i32
    %add3A_211 = vector.broadcast %add3A_210 : i32 to vector<16xi32>
    %add3A_212 = arith.addi %add3A_211, %iota3A : vector<16xi32>
    %swap3A_213 = arith.constant 1 : i32
    %swap3A_214 = arith.index_cast %swap3A_213 : i32 to index
    %swap3A_215 = arith.constant 80 : index
    %swap3A_216 = tpu.vector_load %arg9[%swap3A_214, %swap3A_215] {strides = array<i32>} : memref<2x128xi32, #tpu.memory_space<vmem>>, vector<16xi32>,
    tpu.vector_store %arg9[%swap3A_214, %swap3A_215], %add3A_212 {strides = array<i32>} : memref<2x128xi32, #tpu.memory_space<vmem>>, vector<16xi32>,
    %add3A_217 = arith.constant 128 : i32
    %add3A_218 = arith.addi %add3A_77, %add3A_217 : i32
    %add3A_219 = arith.constant 96 : i32
    %add3A_220 = arith.addi %add3A_218, %add3A_219 : i32
    %add3A_221 = vector.broadcast %add3A_220 : i32 to vector<16xi32>
    %add3A_222 = arith.addi %add3A_221, %iota3A : vector<16xi32>
    %swap3A_223 = arith.constant 1 : i32
    %swap3A_224 = arith.index_cast %swap3A_223 : i32 to index
    %swap3A_225 = arith.constant 96 : index
    %swap3A_226 = tpu.vector_load %arg9[%swap3A_224, %swap3A_225] {strides = array<i32>} : memref<2x128xi32, #tpu.memory_space<vmem>>, vector<16xi32>,
    tpu.vector_store %arg9[%swap3A_224, %swap3A_225], %add3A_222 {strides = array<i32>} : memref<2x128xi32, #tpu.memory_space<vmem>>, vector<16xi32>,
    %add3A_227 = arith.constant 128 : i32
    %add3A_228 = arith.addi %add3A_77, %add3A_227 : i32
    %add3A_229 = arith.constant 112 : i32
    %add3A_230 = arith.addi %add3A_228, %add3A_229 : i32
    %add3A_231 = vector.broadcast %add3A_230 : i32 to vector<16xi32>
    %add3A_232 = arith.addi %add3A_231, %iota3A : vector<16xi32>
    %swap3A_233 = arith.constant 1 : i32
    %swap3A_234 = arith.index_cast %swap3A_233 : i32 to index
    %swap3A_235 = arith.constant 112 : index
    %swap3A_236 = tpu.vector_load %arg9[%swap3A_234, %swap3A_235] {strides = array<i32>} : memref<2x128xi32, #tpu.memory_space<vmem>>, vector<16xi32>,
    tpu.vector_store %arg9[%swap3A_234, %swap3A_235], %add3A_232 {strides = array<i32>} : memref<2x128xi32, #tpu.memory_space<vmem>>, vector<16xi32>,
    %mul3A_237 = arith.constant 8192 : i32
    %mul3A_238 = arith.muli %add3A, %mul3A_237 : i32
    %mul3A_239 = arith.constant 1024 : i32
    %mul3A_240 = arith.muli %select_n3A_30, %mul3A_239 : i32
    %add3A_241 = arith.addi %mul3A_238, %mul3A_240 : i32
    %mul3A_242 = arith.constant 256 : i32
    %mul3A_243 = arith.muli %add3A, %mul3A_242 : i32
    %sub3A_244 = arith.constant 256 : i32
    %sub3A_245 = arith.subi %sub3A_244, %reduce_sum3A_73 : i32
    %scan3A = arith.constant 0 : i32
    %scan3A_246 = arith.constant 0 : i32
    %scan3A_247 = arith.constant 0 : i32
    %scan3A_248 = arith.constant 0 : i32
    %scan3A_249 = arith.constant 64 : i32
    %scan3A_250 = arith.addi %scan3A_248, %scan3A_249 : i32
    %scan3A_251 = arith.constant 1 : i32
    %scan3A_252:3 = scf.for %scan3A_292 = %scan3A_248 to %scan3A_250 step %scan3A_251 iter_args(%scan3A_293 = %scan3A, %scan3A_294 = %scan3A_246, %scan3A_295 = %scan3A_247) -> (i32, i32, i32)  : i32 {
      %mul3A_296 = arith.constant 16 : i32
      %mul3A_297 = arith.muli %scan3A_292, %mul3A_296 : i32
      %get3A_298 = arith.index_cast %mul3A_297 : i32 to index
      %get3A_299 = tpu.vector_load %arg6[%get3A_298] {strides = array<i32>} : memref<1024xf32, #tpu.memory_space<vmem>>, vector<16xf32>,
      %mul3A_300 = arith.constant 16 : i32
      %mul3A_301 = arith.muli %scan3A_292, %mul3A_300 : i32
      %add3A_302 = arith.addi %add3A_241, %mul3A_301 : i32
      %add3A_303 = vector.broadcast %add3A_302 : i32 to vector<16xi32>
      %add3A_304 = arith.addi %add3A_303, %iota3A : vector<16xi32>
      %gt3A = arith.cmpf ogt, %get3A_299, %gather3A : vector<16xf32>
      %convert_element_type3A = arith.extui %gt3A : vector<16xi1> to vector<16xi32>
      %broadcast_in_dim3A_305 = arith.constant true
      %broadcast_in_dim3A_306 = vector.broadcast %broadcast_in_dim3A_305 : i1 to vector<16xi1>
      %masked_cumsum3A = tpu.scan <sum>, %convert_element_type3A masked %broadcast_in_dim3A_306 : vector<16xi32>, vector<16xi1> -> vector<16xi32>
      %add3A_307 = arith.addi %mul3A_243, %reduce_sum3A_53 : i32
      %add3A_308 = arith.addi %add3A_307, %scan3A_293 : i32
      %add3A_309 = vector.broadcast %add3A_308 : i32 to vector<16xi32>
      %add3A_310 = arith.addi %add3A_309, %masked_cumsum3A : vector<16xi32>
      %sub3A_311 = arith.constant 1 : i32
      %sub3A_312 = vector.broadcast %sub3A_311 : i32 to vector<16xi32>
      %sub3A_313 = arith.subi %add3A_310, %sub3A_312 : vector<16xi32>
      %add3A_314 = vector.broadcast %scan3A_295 : i32 to vector<16xi32>
      %add3A_315 = arith.addi %add3A_314, %masked_cumsum3A : vector<16xi32>
      %sub3A_316 = arith.constant 1 : i32
      %sub3A_317 = vector.broadcast %sub3A_316 : i32 to vector<16xi32>
      %sub3A_318 = arith.subi %add3A_315, %sub3A_317 : vector<16xi32>
      %shift_right_arithmetic3A = arith.constant 7 : i32
      %shift_right_arithmetic3A_319 = vector.broadcast %shift_right_arithmetic3A : i32 to vector<16xi32>
      %shift_right_arithmetic3A_320 = arith.shrsi %sub3A_318, %shift_right_arithmetic3A_319 : vector<16xi32>
      %and3A_321 = arith.constant 127 : i32
      %and3A_322 = vector.broadcast %and3A_321 : i32 to vector<16xi32>
      %and3A_323 = arith.andi %sub3A_318, %and3A_322 : vector<16xi32>
      tpu.vector_store_idx %arg10[%shift_right_arithmetic3A_320, %and3A_323], %add3A_304 masked %gt3A : memref<2x128xi32, #tpu.memory_space<vmem>>[vector<16xi32>, vector<16xi32>], vector<16xi32>, vector<16xi1>
      %shift_right_arithmetic3A_324 = arith.constant 7 : i32
      %shift_right_arithmetic3A_325 = vector.broadcast %shift_right_arithmetic3A_324 : i32 to vector<16xi32>
      %shift_right_arithmetic3A_326 = arith.shrsi %sub3A_318, %shift_right_arithmetic3A_325 : vector<16xi32>
      %and3A_327 = arith.constant 127 : i32
      %and3A_328 = vector.broadcast %and3A_327 : i32 to vector<16xi32>
      %and3A_329 = arith.andi %sub3A_318, %and3A_328 : vector<16xi32>
      tpu.vector_store_idx %arg9[%shift_right_arithmetic3A_326, %and3A_329], %sub3A_313 masked %gt3A : memref<2x128xi32, #tpu.memory_space<vmem>>[vector<16xi32>, vector<16xi32>], vector<16xi32>, vector<16xi1>
      %convert_element_type3A_330 = arith.extui %gt3A : vector<16xi1> to vector<16xi32>
      %reduce_sum3A_331 = arith.constant true
      %reduce_sum3A_332 = vector.broadcast %reduce_sum3A_331 : i1 to vector<16xi1>
      %reduce_sum3A_333 = tpu.scan <sum>, %convert_element_type3A_330 masked %reduce_sum3A_332 : vector<16xi32>, vector<16xi1> -> vector<16xi32>
      %reduce_sum3A_334 = vector.extract %reduce_sum3A_333[15] : i32 from vector<16xi32>
      %add3A_335 = arith.addi %scan3A_295, %reduce_sum3A_334 : i32
      %eq3A_336 = arith.cmpf oeq, %get3A_299, %gather3A : vector<16xf32>
      %convert_element_type3A_337 = arith.extui %eq3A_336 : vector<16xi1> to vector<16xi32>
      %broadcast_in_dim3A_338 = arith.constant true
      %broadcast_in_dim3A_339 = vector.broadcast %broadcast_in_dim3A_338 : i1 to vector<16xi1>
      %masked_cumsum3A_340 = tpu.scan <sum>, %convert_element_type3A_337 masked %broadcast_in_dim3A_339 : vector<16xi32>, vector<16xi1> -> vector<16xi32>
      %add3A_341 = arith.addi %reduce_sum3A_63, %scan3A_294 : i32
      %add3A_342 = vector.broadcast %add3A_341 : i32 to vector<16xi32>
      %add3A_343 = arith.addi %add3A_342, %masked_cumsum3A_340 : vector<16xi32>
      %sub3A_344 = arith.constant 1 : i32
      %sub3A_345 = vector.broadcast %sub3A_344 : i32 to vector<16xi32>
      %sub3A_346 = arith.subi %add3A_343, %sub3A_345 : vector<16xi32>
      %lt3A_347 = vector.broadcast %sub3A_245 : i32 to vector<16xi32>
      %lt3A_348 = arith.cmpi slt, %sub3A_346, %lt3A_347 : vector<16xi32>
      %and3A_349 = arith.andi %eq3A_336, %lt3A_348 : vector<16xi1>
      %convert_element_type3A_350 = arith.extui %and3A_349 : vector<16xi1> to vector<16xi32>
      %broadcast_in_dim3A_351 = arith.constant true
      %broadcast_in_dim3A_352 = vector.broadcast %broadcast_in_dim3A_351 : i1 to vector<16xi1>
      %masked_cumsum3A_353 = tpu.scan <sum>, %convert_element_type3A_350 masked %broadcast_in_dim3A_352 : vector<16xi32>, vector<16xi1> -> vector<16xi32>
      %add3A_354 = arith.addi %mul3A_243, %reduce_sum3A_73 : i32
      %add3A_355 = vector.broadcast %add3A_354 : i32 to vector<16xi32>
      %add3A_356 = arith.addi %add3A_355, %sub3A_346 : vector<16xi32>
      %add3A_357 = vector.broadcast %add3A_335 : i32 to vector<16xi32>
      %add3A_358 = arith.addi %add3A_357, %masked_cumsum3A_353 : vector<16xi32>
      %sub3A_359 = arith.constant 1 : i32
      %sub3A_360 = vector.broadcast %sub3A_359 : i32 to vector<16xi32>
      %sub3A_361 = arith.subi %add3A_358, %sub3A_360 : vector<16xi32>
      %shift_right_arithmetic3A_362 = arith.constant 7 : i32
      %shift_right_arithmetic3A_363 = vector.broadcast %shift_right_arithmetic3A_362 : i32 to vector<16xi32>
      %shift_right_arithmetic3A_364 = arith.shrsi %sub3A_361, %shift_right_arithmetic3A_363 : vector<16xi32>
      %and3A_365 = arith.constant 127 : i32
      %and3A_366 = vector.broadcast %and3A_365 : i32 to vector<16xi32>
      %and3A_367 = arith.andi %sub3A_361, %and3A_366 : vector<16xi32>
      tpu.vector_store_idx %arg10[%shift_right_arithmetic3A_364, %and3A_367], %add3A_304 masked %and3A_349 : memref<2x128xi32, #tpu.memory_space<vmem>>[vector<16xi32>, vector<16xi32>], vector<16xi32>, vector<16xi1>
      %shift_right_arithmetic3A_368 = arith.constant 7 : i32
      %shift_right_arithmetic3A_369 = vector.broadcast %shift_right_arithmetic3A_368 : i32 to vector<16xi32>
      %shift_right_arithmetic3A_370 = arith.shrsi %sub3A_361, %shift_right_arithmetic3A_369 : vector<16xi32>
      %and3A_371 = arith.constant 127 : i32
      %and3A_372 = vector.broadcast %and3A_371 : i32 to vector<16xi32>
      %and3A_373 = arith.andi %sub3A_361, %and3A_372 : vector<16xi32>
      tpu.vector_store_idx %arg9[%shift_right_arithmetic3A_370, %and3A_373], %add3A_356 masked %and3A_349 : memref<2x128xi32, #tpu.memory_space<vmem>>[vector<16xi32>, vector<16xi32>], vector<16xi32>, vector<16xi1>
      %convert_element_type3A_374 = arith.extui %and3A_349 : vector<16xi1> to vector<16xi32>
      %reduce_sum3A_375 = arith.constant true
      %reduce_sum3A_376 = vector.broadcast %reduce_sum3A_375 : i1 to vector<16xi1>
      %reduce_sum3A_377 = tpu.scan <sum>, %convert_element_type3A_374 masked %reduce_sum3A_376 : vector<16xi32>, vector<16xi1> -> vector<16xi32>
      %reduce_sum3A_378 = vector.extract %reduce_sum3A_377[15] : i32 from vector<16xi32>
      %convert_element_type3A_379 = arith.extui %eq3A_336 : vector<16xi1> to vector<16xi32>
      %reduce_sum3A_380 = arith.constant true
      %reduce_sum3A_381 = vector.broadcast %reduce_sum3A_380 : i1 to vector<16xi1>
      %reduce_sum3A_382 = tpu.scan <sum>, %convert_element_type3A_379 masked %reduce_sum3A_381 : vector<16xi32>, vector<16xi1> -> vector<16xi32>
      %reduce_sum3A_383 = vector.extract %reduce_sum3A_382[15] : i32 from vector<16xi32>
      %add3A_384 = arith.addi %scan3A_293, %reduce_sum3A_334 : i32
      %add3A_385 = arith.addi %scan3A_294, %reduce_sum3A_383 : i32
      %add3A_386 = arith.addi %add3A_335, %reduce_sum3A_378 : i32
      scf.yield %add3A_384, %add3A_385, %add3A_386 : i32, i32, i32
    }
    %scan3A_253 = arith.constant 64 : i32
    %dma_start3A = arith.constant 0 : i32
    %dma_start3A_254 = arith.constant 0 : i32
    %dma_start3A_255 = arith.constant 0 : i32
    %dma_start3A_256 = tpu.memref_slice %arg10[%dma_start3A, %dma_start3A_255] : memref<2x128xi32, #tpu.memory_space<vmem>> -> memref<1x128xi32, #tpu.memory_space<vmem>>
    %dma_start3A_257 = tpu.memref_squeeze %dma_start3A_256 : memref<1x128xi32, #tpu.memory_space<vmem>> -> memref<128xi32, #tpu.memory_space<vmem>>
    %dma_start3A_258 = arith.constant 0 : i32
    %dma_start3A_259 = tpu.memref_slice %arg9[%dma_start3A_254, %dma_start3A_258] : memref<2x128xi32, #tpu.memory_space<vmem>> -> memref<1x128xi32, #tpu.memory_space<vmem>>
    %dma_start3A_260 = tpu.memref_squeeze %dma_start3A_259 : memref<1x128xi32, #tpu.memory_space<vmem>> -> memref<128xi32, #tpu.memory_space<vmem>>
    %dma_start3A_261 = arith.constant 0 : i32
    %dma_start3A_262 = tpu.memref_slice %arg5[%dma_start3A_261] : memref<9216xi32, #tpu.memory_space<hbm>> -> memref<9216xi32, #tpu.memory_space<hbm>>
    tpu.enqueue_indirect_dma source(%dma_start3A_257 : memref<128xi32, #tpu.memory_space<vmem>>) target(%dma_start3A_262 : memref<9216xi32, #tpu.memory_space<hbm>>) offsets(%dma_start3A_260 : memref<128xi32, #tpu.memory_space<vmem>>) semaphore(%arg11 : memref<!tpu.dma_semaphore, #tpu.memory_space<semaphore_mem>>)
    %dma_wait3A = arith.constant 0 : i32
    %dma_wait3A_263 = arith.constant 0 : i32
    %dma_wait3A_264 = arith.constant 0 : i32
    %dma_wait3A_265 = tpu.memref_slice %arg10[%dma_wait3A, %dma_wait3A_264] : memref<2x128xi32, #tpu.memory_space<vmem>> -> memref<1x128xi32, #tpu.memory_space<vmem>>
    %dma_wait3A_266 = tpu.memref_squeeze %dma_wait3A_265 : memref<1x128xi32, #tpu.memory_space<vmem>> -> memref<128xi32, #tpu.memory_space<vmem>>
    %dma_wait3A_267 = arith.constant 0 : i32
    %dma_wait3A_268 = tpu.memref_slice %arg9[%dma_wait3A_263, %dma_wait3A_267] : memref<2x128xi32, #tpu.memory_space<vmem>> -> memref<1x128xi32, #tpu.memory_space<vmem>>
    %dma_wait3A_269 = tpu.memref_squeeze %dma_wait3A_268 : memref<1x128xi32, #tpu.memory_space<vmem>> -> memref<128xi32, #tpu.memory_space<vmem>>
    %dma_wait3A_270 = arith.constant 0 : i32
    %dma_wait3A_271 = tpu.memref_slice %arg5[%dma_wait3A_270] : memref<9216xi32, #tpu.memory_space<hbm>> -> memref<9216xi32, #tpu.memory_space<hbm>>
    tpu.wait_indirect_dma semaphore(%arg11 : memref<!tpu.dma_semaphore, #tpu.memory_space<semaphore_mem>>) src(%dma_wait3A_266 : memref<128xi32, #tpu.memory_space<vmem>>) dst(%dma_wait3A_271 : memref<9216xi32, #tpu.memory_space<hbm>>)
    %dma_start3A_272 = arith.constant 1 : i32
    %dma_start3A_273 = arith.constant 1 : i32
    %dma_start3A_274 = arith.constant 0 : i32
    %dma_start3A_275 = tpu.memref_slice %arg10[%dma_start3A_272, %dma_start3A_274] : memref<2x128xi32, #tpu.memory_space<vmem>> -> memref<1x128xi32, #tpu.memory_space<vmem>>
    %dma_start3A_276 = tpu.memref_squeeze %dma_start3A_275 : memref<1x128xi32, #tpu.memory_space<vmem>> -> memref<128xi32, #tpu.memory_space<vmem>>
    %dma_start3A_277 = arith.constant 0 : i32
    %dma_start3A_278 = tpu.memref_slice %arg9[%dma_start3A_273, %dma_start3A_277] : memref<2x128xi32, #tpu.memory_space<vmem>> -> memref<1x128xi32, #tpu.memory_space<vmem>>
    %dma_start3A_279 = tpu.memref_squeeze %dma_start3A_278 : memref<1x128xi32, #tpu.memory_space<vmem>> -> memref<128xi32, #tpu.memory_space<vmem>>
    %dma_start3A_280 = arith.constant 0 : i32
    %dma_start3A_281 = tpu.memref_slice %arg5[%dma_start3A_280] : memref<9216xi32, #tpu.memory_space<hbm>> -> memref<9216xi32, #tpu.memory_space<hbm>>
    tpu.enqueue_indirect_dma source(%dma_start3A_276 : memref<128xi32, #tpu.memory_space<vmem>>) target(%dma_start3A_281 : memref<9216xi32, #tpu.memory_space<hbm>>) offsets(%dma_start3A_279 : memref<128xi32, #tpu.memory_space<vmem>>) semaphore(%arg11 : memref<!tpu.dma_semaphore, #tpu.memory_space<semaphore_mem>>)
    %dma_wait3A_282 = arith.constant 1 : i32
    %dma_wait3A_283 = arith.constant 1 : i32
    %dma_wait3A_284 = arith.constant 0 : i32
    %dma_wait3A_285 = tpu.memref_slice %arg10[%dma_wait3A_282, %dma_wait3A_284] : memref<2x128xi32, #tpu.memory_space<vmem>> -> memref<1x128xi32, #tpu.memory_space<vmem>>
    %dma_wait3A_286 = tpu.memref_squeeze %dma_wait3A_285 : memref<1x128xi32, #tpu.memory_space<vmem>> -> memref<128xi32, #tpu.memory_space<vmem>>
    %dma_wait3A_287 = arith.constant 0 : i32
    %dma_wait3A_288 = tpu.memref_slice %arg9[%dma_wait3A_283, %dma_wait3A_287] : memref<2x128xi32, #tpu.memory_space<vmem>> -> memref<1x128xi32, #tpu.memory_space<vmem>>
    %dma_wait3A_289 = tpu.memref_squeeze %dma_wait3A_288 : memref<1x128xi32, #tpu.memory_space<vmem>> -> memref<128xi32, #tpu.memory_space<vmem>>
    %dma_wait3A_290 = arith.constant 0 : i32
    %dma_wait3A_291 = tpu.memref_slice %arg5[%dma_wait3A_290] : memref<9216xi32, #tpu.memory_space<hbm>> -> memref<9216xi32, #tpu.memory_space<hbm>>
    tpu.wait_indirect_dma semaphore(%arg11 : memref<!tpu.dma_semaphore, #tpu.memory_space<semaphore_mem>>) src(%dma_wait3A_286 : memref<128xi32, #tpu.memory_space<vmem>>) dst(%dma_wait3A_291 : memref<9216xi32, #tpu.memory_space<hbm>>)
    return
  }
}

#map = affine_map<(d0, d1) -> (0)>
#map1 = affine_map<(d0, d1) -> (0, 0)>
module attributes {stable_mosaic.version = 14 : i64} {
  func.func @new_body(%arg0: i32, %arg1: i32, %arg2: memref<9216xi32, #tpu.memory_space<hbm>>, %arg3: memref<1024x768xf32, #tpu.memory_space<hbm>>, %arg4: memref<32768x768xf32, #tpu.memory_space<hbm>>, %arg5: memref<32768x768xf32, #tpu.memory_space<hbm>>, %arg6: memref<32xi32, #tpu.memory_space<vmem>>, %arg7: memref<32x768xf32, #tpu.memory_space<vmem>>, %arg8: memref<!tpu.dma_semaphore, #tpu.memory_space<semaphore_mem>>) attributes {dimension_semantics = [#tpu.dimension_semantics<core_parallel>, #tpu.dimension_semantics<subcore_parallel>], iteration_bounds = array<i64: 2, 16>, scalar_prefetch = 0 : i64, scratch_operands = 3 : i64, tpu.core_type = #tpu.core_type<sc_vector_subcore>, window_params = [{transform_indices = #map}, {transform_indices = #map1}, {transform_indices = #map1}, {transform_indices = #map1}]} {
    %mul3A = arith.constant 2 : i32
    %mul3A_0 = arith.muli %arg1, %mul3A : i32
    %add3A = arith.addi %mul3A_0, %arg0 : i32
    %mul3A_1 = arith.constant 32 : i32
    %mul3A_2 = arith.muli %add3A, %mul3A_1 : i32
    "tpu.region"() ({
      %run_scoped3A = tpu.sem_alloc : memref<!tpu.dma_semaphore, #tpu.memory_space<semaphore_mem>>
      %dma_start3A_9 = tpu.memref_slice %arg2[%mul3A_2] : memref<9216xi32, #tpu.memory_space<hbm>> -> memref<32xi32, #tpu.memory_space<hbm>>
      %dma_start3A_10 = tpu.memref_slice %arg2[%mul3A_2] : memref<9216xi32, #tpu.memory_space<hbm>> -> memref<32xi32, #tpu.memory_space<hbm>>
      tpu.enqueue_dma source(%dma_start3A_10 : memref<32xi32, #tpu.memory_space<hbm>>) target(%arg6 : memref<32xi32, #tpu.memory_space<vmem>>) target_semaphore(%run_scoped3A : memref<!tpu.dma_semaphore, #tpu.memory_space<semaphore_mem>>)
      %dma_wait3A_11 = tpu.memref_slice %arg2[%mul3A_2] : memref<9216xi32, #tpu.memory_space<hbm>> -> memref<32xi32, #tpu.memory_space<hbm>>
      %dma_wait3A_12 = tpu.memref_slice %arg2[%mul3A_2] : memref<9216xi32, #tpu.memory_space<hbm>> -> memref<32xi32, #tpu.memory_space<hbm>>
      tpu.wait_dma2 semaphore(%run_scoped3A : memref<!tpu.dma_semaphore, #tpu.memory_space<semaphore_mem>>) src(%dma_wait3A_12 : memref<32xi32, #tpu.memory_space<hbm>>) dst(%arg6 : memref<32xi32, #tpu.memory_space<vmem>>)
      tpu.yield
    }) : () -> ()
    %mul3A_3 = arith.constant 32 : i32
    %mul3A_4 = arith.muli %add3A, %mul3A_3 : i32
    "tpu.region"() ({
      %run_scoped3A = tpu.sem_alloc : memref<!tpu.dma_semaphore, #tpu.memory_space<semaphore_mem>>
      %dma_start3A_9 = arith.constant 0 : i32
      %dma_start3A_10 = tpu.memref_slice %arg3[%mul3A_4, %dma_start3A_9] : memref<1024x768xf32, #tpu.memory_space<hbm>> -> memref<32x768xf32, #tpu.memory_space<hbm>>
      %dma_start3A_11 = arith.constant 0 : i32
      %dma_start3A_12 = tpu.memref_slice %arg3[%mul3A_4, %dma_start3A_11] : memref<1024x768xf32, #tpu.memory_space<hbm>> -> memref<32x768xf32, #tpu.memory_space<hbm>>
      tpu.enqueue_dma source(%dma_start3A_12 : memref<32x768xf32, #tpu.memory_space<hbm>>) target(%arg7 : memref<32x768xf32, #tpu.memory_space<vmem>>) target_semaphore(%run_scoped3A : memref<!tpu.dma_semaphore, #tpu.memory_space<semaphore_mem>>)
      %dma_wait3A_13 = arith.constant 0 : i32
      %dma_wait3A_14 = tpu.memref_slice %arg3[%mul3A_4, %dma_wait3A_13] : memref<1024x768xf32, #tpu.memory_space<hbm>> -> memref<32x768xf32, #tpu.memory_space<hbm>>
      %dma_wait3A_15 = arith.constant 0 : i32
      %dma_wait3A_16 = tpu.memref_slice %arg3[%mul3A_4, %dma_wait3A_15] : memref<1024x768xf32, #tpu.memory_space<hbm>> -> memref<32x768xf32, #tpu.memory_space<hbm>>
      tpu.wait_dma2 semaphore(%run_scoped3A : memref<!tpu.dma_semaphore, #tpu.memory_space<semaphore_mem>>) src(%dma_wait3A_16 : memref<32x768xf32, #tpu.memory_space<hbm>>) dst(%arg7 : memref<32x768xf32, #tpu.memory_space<vmem>>)
      tpu.yield
    }) : () -> ()
    %dma_start3A = arith.constant 0 : i32
    %dma_start3A_5 = arith.constant 0 : i32
    %dma_start3A_6 = tpu.memref_slice %arg4[%dma_start3A, %dma_start3A_5] : memref<32768x768xf32, #tpu.memory_space<hbm>> -> memref<32768x768xf32, #tpu.memory_space<hbm>>
    tpu.enqueue_indirect_dma source(%arg7 : memref<32x768xf32, #tpu.memory_space<vmem>>) target(%dma_start3A_6 : memref<32768x768xf32, #tpu.memory_space<hbm>>) offsets(%arg6 : memref<32xi32, #tpu.memory_space<vmem>>) semaphore(%arg8 : memref<!tpu.dma_semaphore, #tpu.memory_space<semaphore_mem>>)
    %dma_wait3A = arith.constant 0 : i32
    %dma_wait3A_7 = arith.constant 0 : i32
    %dma_wait3A_8 = tpu.memref_slice %arg4[%dma_wait3A, %dma_wait3A_7] : memref<32768x768xf32, #tpu.memory_space<hbm>> -> memref<32768x768xf32, #tpu.memory_space<hbm>>
    tpu.wait_indirect_dma semaphore(%arg8 : memref<!tpu.dma_semaphore, #tpu.memory_space<semaphore_mem>>) src(%arg7 : memref<32x768xf32, #tpu.memory_space<vmem>>) dst(%dma_wait3A_8 : memref<32768x768xf32, #tpu.memory_space<hbm>>)
    return
  }
}

module attributes {stable_mosaic.version = 14 : i64} {
  func.func @_copy_logits_body(%arg0: i32, %arg1: i32, %arg2: memref<1x512x768xf32, #tpu.memory_space<vmem>>, %arg3: memref<768x1xf32, #tpu.memory_space<vmem>>, %arg4: memref<1x512x768xf32, #tpu.memory_space<vmem>>, %arg5: memref<1x1x1x512xf32, #tpu.memory_space<vmem>>) attributes {dimension_semantics = [#tpu.dimension_semantics<arbitrary>, #tpu.dimension_semantics<arbitrary>], iteration_bounds = array<i64: 4, 16>, scalar_prefetch = 0 : i64, scratch_operands = 0 : i64, tpu.core_type = #tpu.core_type<tc>, window_params = [{transform_indices = @transform_0, window_bounds = array<i64: 1, 512, 768>}, {pipeline_mode = #tpu.pipeline_mode<synchronous>, transform_indices = @transform_1, window_bounds = array<i64: 768, 1>}, {transform_indices = @transform_2, window_bounds = array<i64: 1, 512, 768>}, {transform_indices = @transform_3, window_bounds = array<i64: 1, 1, 1, 512>}]} {
    %get3A = arith.constant 0 : index
    %get3A_0 = arith.constant 0 : index
    %get3A_1 = arith.constant 0 : index
    %get3A_2 = vector.load %arg2[%get3A, %get3A_0, %get3A_1] : memref<1x512x768xf32, #tpu.memory_space<vmem>>, vector<1x512x768xf32>
    %get3A_3 = vector.shape_cast %get3A_2 : vector<1x512x768xf32> to vector<512x768xf32>
    %swap3A = arith.constant 0 : index
    %swap3A_4 = arith.constant 0 : index
    %swap3A_5 = arith.constant 0 : index
    %swap3A_6 = vector.load %arg4[%swap3A, %swap3A_4, %swap3A_5] : memref<1x512x768xf32, #tpu.memory_space<vmem>>, vector<1x512x768xf32>
    %swap3A_7 = vector.shape_cast %swap3A_6 : vector<1x512x768xf32> to vector<512x768xf32>
    %swap3A_8 = vector.shape_cast %get3A_3 : vector<512x768xf32> to vector<1x512x768xf32>
    tpu.vector_store %arg4[%swap3A, %swap3A_4, %swap3A_5], %swap3A_8 {strides = array<i32>} : memref<1x512x768xf32, #tpu.memory_space<vmem>>, vector<1x512x768xf32>,
    %get3A_9 = arith.constant 0 : index
    %get3A_10 = arith.constant 0 : index
    %get3A_11 = vector.load %arg3[%get3A_9, %get3A_10] : memref<768x1xf32, #tpu.memory_space<vmem>>, vector<768x1xf32>
    %dot_general3A = arith.constant dense<0.000000e+00> : vector<512x1xf32>
    %dot_general3A_12 = tpu.matmul %get3A_3, %get3A_11, %dot_general3A {dimension_numbers = #tpu.dot_dimension_numbers<[1], [0], [0], [1], [0, 0, 1, 1], [], []>, transpose_lhs_hint = false} : vector<512x768xf32>, vector<768x1xf32>, vector<512x1xf32> -> vector<512x1xf32>
    %reshape3A = vector.shape_cast %dot_general3A_12 : vector<512x1xf32> to vector<1x1x1x512xf32>
    %swap3A_13 = arith.constant 0 : index
    %swap3A_14 = arith.constant 0 : index
    %swap3A_15 = arith.constant 0 : index
    %swap3A_16 = arith.constant 0 : index
    %swap3A_17 = vector.load %arg5[%swap3A_13, %swap3A_14, %swap3A_15, %swap3A_16] : memref<1x1x1x512xf32, #tpu.memory_space<vmem>>, vector<1x1x1x512xf32>
    tpu.vector_store %arg5[%swap3A_13, %swap3A_14, %swap3A_15, %swap3A_16], %reshape3A {strides = array<i32>} : memref<1x1x1x512xf32, #tpu.memory_space<vmem>>, vector<1x1x1x512xf32>,
    return
  }
  func.func @transform_0(%arg0: i32, %arg1: i32) -> (i32, i32, i32) {
    %c0_i32 = arith.constant 0 : i32
    %c0_i32_0 = arith.constant 0 : i32
    return %arg0, %arg1, %c0_i32 : i32, i32, i32
  }
  func.func @transform_1(%arg0: i32, %arg1: i32) -> (i32, i32) {
    %c0_i32 = arith.constant 0 : i32
    %c0_i32_0 = arith.constant 0 : i32
    %c0_i32_1 = arith.constant 0 : i32
    return %c0_i32, %c0_i32_0 : i32, i32
  }
  func.func @transform_2(%arg0: i32, %arg1: i32) -> (i32, i32, i32) {
    %c0_i32 = arith.constant 0 : i32
    %c0_i32_0 = arith.constant 0 : i32
    return %arg0, %arg1, %c0_i32 : i32, i32, i32
  }
  func.func @transform_3(%arg0: i32, %arg1: i32) -> (i32, i32, i32, i32) {
    %c0_i32 = arith.constant 0 : i32
    %c0_i32_0 = arith.constant 0 : i32
    %c0_i32_1 = arith.constant 0 : i32
    return %arg0, %arg1, %c0_i32, %c0_i32_0 : i32, i32, i32, i32
  }
}

module attributes {stable_mosaic.version = 14 : i64} {
  func.func @_mm_body(%arg0: memref<1024x768xf32, #tpu.memory_space<vmem>>, %arg1: memref<768x768xf32, #tpu.memory_space<vmem>>, %arg2: memref<1x768xf32, #tpu.memory_space<vmem>>, %arg3: memref<1024x768xf32, #tpu.memory_space<vmem>>) attributes {dimension_semantics = [], scalar_prefetch = 0 : i64, scratch_operands = 0 : i64, tpu.core_type = #tpu.core_type<tc>} {
    %get3A = arith.constant 0 : index
    %get3A_0 = arith.constant 0 : index
    %get3A_1 = vector.load %arg0[%get3A, %get3A_0] : memref<1024x768xf32, #tpu.memory_space<vmem>>, vector<1024x768xf32>
    %get3A_2 = arith.constant 0 : index
    %get3A_3 = arith.constant 0 : index
    %get3A_4 = vector.load %arg1[%get3A_2, %get3A_3] : memref<768x768xf32, #tpu.memory_space<vmem>>, vector<768x768xf32>
    %dot_general3A = arith.constant dense<0.000000e+00> : vector<1024x768xf32>
    %dot_general3A_5 = tpu.matmul %get3A_1, %get3A_4, %dot_general3A {dimension_numbers = #tpu.dot_dimension_numbers<[1], [0], [0], [1], [0, 0, 1, 1], [], []>, transpose_lhs_hint = false} : vector<1024x768xf32>, vector<768x768xf32>, vector<1024x768xf32> -> vector<1024x768xf32>
    %get3A_6 = arith.constant 0 : index
    %get3A_7 = arith.constant 0 : index
    %get3A_8 = vector.load %arg2[%get3A_6, %get3A_7] : memref<1x768xf32, #tpu.memory_space<vmem>>, vector<1x768xf32>
    %add3A = vector.broadcast %get3A_8 : vector<1x768xf32> to vector<1024x768xf32>
    %add3A_9 = arith.addf %dot_general3A_5, %add3A : vector<1024x768xf32>
    %swap3A = arith.constant 0 : index
    %swap3A_10 = arith.constant 0 : index
    %swap3A_11 = vector.load %arg3[%swap3A, %swap3A_10] : memref<1024x768xf32, #tpu.memory_space<vmem>>, vector<1024x768xf32>
    tpu.vector_store %arg3[%swap3A, %swap3A_10], %add3A_9 {strides = array<i32>} : memref<1024x768xf32, #tpu.memory_space<vmem>>, vector<1024x768xf32>,
    return
  }
}

module attributes {stable_mosaic.version = 14 : i64} {
  func.func @_threshold_body(%arg0: memref<4x16x1x512xf32, #tpu.memory_space<vmem>>, %arg1: memref<1x16xf32, #tpu.memory_space<vmem>>, %arg2: memref<4x8x16xi32, #tpu.memory_space<vmem>>) attributes {dimension_semantics = [], scalar_prefetch = 0 : i64, scratch_operands = 0 : i64, tpu.core_type = #tpu.core_type<tc>} {
    %get3A = arith.constant 0 : index
    %get3A_0 = arith.constant 0 : index
    %get3A_1 = arith.constant 0 : index
    %get3A_2 = arith.constant 0 : index
    %get3A_3 = vector.load %arg0[%get3A, %get3A_0, %get3A_1, %get3A_2] : memref<4x16x1x512xf32, #tpu.memory_space<vmem>>, vector<4x16x1x512xf32>
    %bitcast_convert_type3A = tpu.bitcast %get3A_3 : vector<4x16x1x512xf32> -> vector<4x16x1x512xi32>
    %shift_right_arithmetic3A = arith.constant 31 : i32
    %shift_right_arithmetic3A_4 = vector.broadcast %shift_right_arithmetic3A : i32 to vector<4x16x1x512xi32>
    %shift_right_arithmetic3A_5 = arith.shrsi %bitcast_convert_type3A, %shift_right_arithmetic3A_4 : vector<4x16x1x512xi32>
    %and3A = arith.constant 2147483647 : i32
    %and3A_6 = vector.broadcast %and3A : i32 to vector<4x16x1x512xi32>
    %and3A_7 = arith.andi %shift_right_arithmetic3A_5, %and3A_6 : vector<4x16x1x512xi32>
    %xor3A = arith.xori %bitcast_convert_type3A, %and3A_7 : vector<4x16x1x512xi32>
    %broadcast_in_dim3A = arith.constant 0 : i32
    %broadcast_in_dim3A_8 = vector.broadcast %broadcast_in_dim3A : i32 to vector<4x1x1x1xi32>
    %or3A = arith.constant -2147483648 : i32
    %or3A_9 = vector.broadcast %or3A : i32 to vector<4x1x1x1xi32>
    %or3A_10 = arith.ori %broadcast_in_dim3A_8, %or3A_9 : vector<4x1x1x1xi32>
    %xor3A_11 = arith.constant -2147483648 : i32
    %xor3A_12 = vector.broadcast %xor3A_11 : i32 to vector<4x1x1x1xi32>
    %xor3A_13 = arith.xori %or3A_10, %xor3A_12 : vector<4x1x1x1xi32>
    %ge3A = vector.broadcast %xor3A_13 : vector<4x1x1x1xi32> to vector<4x16x1x512xi32>
    %ge3A_14 = arith.cmpi sge, %xor3A, %ge3A : vector<4x16x1x512xi32>
    %convert_element_type3A = arith.extui %ge3A_14 : vector<4x16x1x512xi1> to vector<4x16x1x512xi32>
    %reduce_sum3A = arith.constant dense<0> : vector<4xi32>
    %reduce_sum3A_15 = vector.multi_reduction <add>, %convert_element_type3A, %reduce_sum3A [1, 2, 3] : vector<4x16x1x512xi32> to vector<4xi32>
    %broadcast_in_dim3A_16 = vector.shape_cast %reduce_sum3A_15 : vector<4xi32> to vector<4x1x1x1xi32>
    %ge3A_17 = arith.constant 256 : i32
    %ge3A_18 = vector.broadcast %ge3A_17 : i32 to vector<4x1x1x1xi32>
    %ge3A_19 = arith.cmpi sge, %broadcast_in_dim3A_16, %ge3A_18 : vector<4x1x1x1xi32>
    %select_n3A = arith.select %ge3A_19, %or3A_10, %broadcast_in_dim3A_8 : vector<4x1x1x1xi1>, vector<4x1x1x1xi32>
    %or3A_20 = arith.constant 1073741824 : i32
    %or3A_21 = vector.broadcast %or3A_20 : i32 to vector<4x1x1x1xi32>
    %or3A_22 = arith.ori %select_n3A, %or3A_21 : vector<4x1x1x1xi32>
    %xor3A_23 = arith.constant -2147483648 : i32
    %xor3A_24 = vector.broadcast %xor3A_23 : i32 to vector<4x1x1x1xi32>
    %xor3A_25 = arith.xori %or3A_22, %xor3A_24 : vector<4x1x1x1xi32>
    %ge3A_26 = vector.broadcast %xor3A_25 : vector<4x1x1x1xi32> to vector<4x16x1x512xi32>
    %ge3A_27 = arith.cmpi sge, %xor3A, %ge3A_26 : vector<4x16x1x512xi32>
    %convert_element_type3A_28 = arith.extui %ge3A_27 : vector<4x16x1x512xi1> to vector<4x16x1x512xi32>
    %reduce_sum3A_29 = arith.constant dense<0> : vector<4xi32>
    %reduce_sum3A_30 = vector.multi_reduction <add>, %convert_element_type3A_28, %reduce_sum3A_29 [1, 2, 3] : vector<4x16x1x512xi32> to vector<4xi32>
    %broadcast_in_dim3A_31 = vector.shape_cast %reduce_sum3A_30 : vector<4xi32> to vector<4x1x1x1xi32>
    %ge3A_32 = arith.constant 256 : i32
    %ge3A_33 = vector.broadcast %ge3A_32 : i32 to vector<4x1x1x1xi32>
    %ge3A_34 = arith.cmpi sge, %broadcast_in_dim3A_31, %ge3A_33 : vector<4x1x1x1xi32>
    %select_n3A_35 = arith.select %ge3A_34, %or3A_22, %select_n3A : vector<4x1x1x1xi1>, vector<4x1x1x1xi32>
    %or3A_36 = arith.constant 536870912 : i32
    %or3A_37 = vector.broadcast %or3A_36 : i32 to vector<4x1x1x1xi32>
    %or3A_38 = arith.ori %select_n3A_35, %or3A_37 : vector<4x1x1x1xi32>
    %xor3A_39 = arith.constant -2147483648 : i32
    %xor3A_40 = vector.broadcast %xor3A_39 : i32 to vector<4x1x1x1xi32>
    %xor3A_41 = arith.xori %or3A_38, %xor3A_40 : vector<4x1x1x1xi32>
    %ge3A_42 = vector.broadcast %xor3A_41 : vector<4x1x1x1xi32> to vector<4x16x1x512xi32>
    %ge3A_43 = arith.cmpi sge, %xor3A, %ge3A_42 : vector<4x16x1x512xi32>
    %convert_element_type3A_44 = arith.extui %ge3A_43 : vector<4x16x1x512xi1> to vector<4x16x1x512xi32>
    %reduce_sum3A_45 = arith.constant dense<0> : vector<4xi32>
    %reduce_sum3A_46 = vector.multi_reduction <add>, %convert_element_type3A_44, %reduce_sum3A_45 [1, 2, 3] : vector<4x16x1x512xi32> to vector<4xi32>
    %broadcast_in_dim3A_47 = vector.shape_cast %reduce_sum3A_46 : vector<4xi32> to vector<4x1x1x1xi32>
    %ge3A_48 = arith.constant 256 : i32
    %ge3A_49 = vector.broadcast %ge3A_48 : i32 to vector<4x1x1x1xi32>
    %ge3A_50 = arith.cmpi sge, %broadcast_in_dim3A_47, %ge3A_49 : vector<4x1x1x1xi32>
    %select_n3A_51 = arith.select %ge3A_50, %or3A_38, %select_n3A_35 : vector<4x1x1x1xi1>, vector<4x1x1x1xi32>
    %or3A_52 = arith.constant 268435456 : i32
    %or3A_53 = vector.broadcast %or3A_52 : i32 to vector<4x1x1x1xi32>
    %or3A_54 = arith.ori %select_n3A_51, %or3A_53 : vector<4x1x1x1xi32>
    %xor3A_55 = arith.constant -2147483648 : i32
    %xor3A_56 = vector.broadcast %xor3A_55 : i32 to vector<4x1x1x1xi32>
    %xor3A_57 = arith.xori %or3A_54, %xor3A_56 : vector<4x1x1x1xi32>
    %ge3A_58 = vector.broadcast %xor3A_57 : vector<4x1x1x1xi32> to vector<4x16x1x512xi32>
    %ge3A_59 = arith.cmpi sge, %xor3A, %ge3A_58 : vector<4x16x1x512xi32>
    %convert_element_type3A_60 = arith.extui %ge3A_59 : vector<4x16x1x512xi1> to vector<4x16x1x512xi32>
    %reduce_sum3A_61 = arith.constant dense<0> : vector<4xi32>
    %reduce_sum3A_62 = vector.multi_reduction <add>, %convert_element_type3A_60, %reduce_sum3A_61 [1, 2, 3] : vector<4x16x1x512xi32> to vector<4xi32>
    %broadcast_in_dim3A_63 = vector.shape_cast %reduce_sum3A_62 : vector<4xi32> to vector<4x1x1x1xi32>
    %ge3A_64 = arith.constant 256 : i32
    %ge3A_65 = vector.broadcast %ge3A_64 : i32 to vector<4x1x1x1xi32>
    %ge3A_66 = arith.cmpi sge, %broadcast_in_dim3A_63, %ge3A_65 : vector<4x1x1x1xi32>
    %select_n3A_67 = arith.select %ge3A_66, %or3A_54, %select_n3A_51 : vector<4x1x1x1xi1>, vector<4x1x1x1xi32>
    %or3A_68 = arith.constant 134217728 : i32
    %or3A_69 = vector.broadcast %or3A_68 : i32 to vector<4x1x1x1xi32>
    %or3A_70 = arith.ori %select_n3A_67, %or3A_69 : vector<4x1x1x1xi32>
    %xor3A_71 = arith.constant -2147483648 : i32
    %xor3A_72 = vector.broadcast %xor3A_71 : i32 to vector<4x1x1x1xi32>
    %xor3A_73 = arith.xori %or3A_70, %xor3A_72 : vector<4x1x1x1xi32>
    %ge3A_74 = vector.broadcast %xor3A_73 : vector<4x1x1x1xi32> to vector<4x16x1x512xi32>
    %ge3A_75 = arith.cmpi sge, %xor3A, %ge3A_74 : vector<4x16x1x512xi32>
    %convert_element_type3A_76 = arith.extui %ge3A_75 : vector<4x16x1x512xi1> to vector<4x16x1x512xi32>
    %reduce_sum3A_77 = arith.constant dense<0> : vector<4xi32>
    %reduce_sum3A_78 = vector.multi_reduction <add>, %convert_element_type3A_76, %reduce_sum3A_77 [1, 2, 3] : vector<4x16x1x512xi32> to vector<4xi32>
    %broadcast_in_dim3A_79 = vector.shape_cast %reduce_sum3A_78 : vector<4xi32> to vector<4x1x1x1xi32>
    %ge3A_80 = arith.constant 256 : i32
    %ge3A_81 = vector.broadcast %ge3A_80 : i32 to vector<4x1x1x1xi32>
    %ge3A_82 = arith.cmpi sge, %broadcast_in_dim3A_79, %ge3A_81 : vector<4x1x1x1xi32>
    %select_n3A_83 = arith.select %ge3A_82, %or3A_70, %select_n3A_67 : vector<4x1x1x1xi1>, vector<4x1x1x1xi32>
    %or3A_84 = arith.constant 67108864 : i32
    %or3A_85 = vector.broadcast %or3A_84 : i32 to vector<4x1x1x1xi32>
    %or3A_86 = arith.ori %select_n3A_83, %or3A_85 : vector<4x1x1x1xi32>
    %xor3A_87 = arith.constant -2147483648 : i32
    %xor3A_88 = vector.broadcast %xor3A_87 : i32 to vector<4x1x1x1xi32>
    %xor3A_89 = arith.xori %or3A_86, %xor3A_88 : vector<4x1x1x1xi32>
    %ge3A_90 = vector.broadcast %xor3A_89 : vector<4x1x1x1xi32> to vector<4x16x1x512xi32>
    %ge3A_91 = arith.cmpi sge, %xor3A, %ge3A_90 : vector<4x16x1x512xi32>
    %convert_element_type3A_92 = arith.extui %ge3A_91 : vector<4x16x1x512xi1> to vector<4x16x1x512xi32>
    %reduce_sum3A_93 = arith.constant dense<0> : vector<4xi32>
    %reduce_sum3A_94 = vector.multi_reduction <add>, %convert_element_type3A_92, %reduce_sum3A_93 [1, 2, 3] : vector<4x16x1x512xi32> to vector<4xi32>
    %broadcast_in_dim3A_95 = vector.shape_cast %reduce_sum3A_94 : vector<4xi32> to vector<4x1x1x1xi32>
    %ge3A_96 = arith.constant 256 : i32
    %ge3A_97 = vector.broadcast %ge3A_96 : i32 to vector<4x1x1x1xi32>
    %ge3A_98 = arith.cmpi sge, %broadcast_in_dim3A_95, %ge3A_97 : vector<4x1x1x1xi32>
    %select_n3A_99 = arith.select %ge3A_98, %or3A_86, %select_n3A_83 : vector<4x1x1x1xi1>, vector<4x1x1x1xi32>
    %or3A_100 = arith.constant 33554432 : i32
    %or3A_101 = vector.broadcast %or3A_100 : i32 to vector<4x1x1x1xi32>
    %or3A_102 = arith.ori %select_n3A_99, %or3A_101 : vector<4x1x1x1xi32>
    %xor3A_103 = arith.constant -2147483648 : i32
    %xor3A_104 = vector.broadcast %xor3A_103 : i32 to vector<4x1x1x1xi32>
    %xor3A_105 = arith.xori %or3A_102, %xor3A_104 : vector<4x1x1x1xi32>
    %ge3A_106 = vector.broadcast %xor3A_105 : vector<4x1x1x1xi32> to vector<4x16x1x512xi32>
    %ge3A_107 = arith.cmpi sge, %xor3A, %ge3A_106 : vector<4x16x1x512xi32>
    %convert_element_type3A_108 = arith.extui %ge3A_107 : vector<4x16x1x512xi1> to vector<4x16x1x512xi32>
    %reduce_sum3A_109 = arith.constant dense<0> : vector<4xi32>
    %reduce_sum3A_110 = vector.multi_reduction <add>, %convert_element_type3A_108, %reduce_sum3A_109 [1, 2, 3] : vector<4x16x1x512xi32> to vector<4xi32>
    %broadcast_in_dim3A_111 = vector.shape_cast %reduce_sum3A_110 : vector<4xi32> to vector<4x1x1x1xi32>
    %ge3A_112 = arith.constant 256 : i32
    %ge3A_113 = vector.broadcast %ge3A_112 : i32 to vector<4x1x1x1xi32>
    %ge3A_114 = arith.cmpi sge, %broadcast_in_dim3A_111, %ge3A_113 : vector<4x1x1x1xi32>
    %select_n3A_115 = arith.select %ge3A_114, %or3A_102, %select_n3A_99 : vector<4x1x1x1xi1>, vector<4x1x1x1xi32>
    %or3A_116 = arith.constant 16777216 : i32
    %or3A_117 = vector.broadcast %or3A_116 : i32 to vector<4x1x1x1xi32>
    %or3A_118 = arith.ori %select_n3A_115, %or3A_117 : vector<4x1x1x1xi32>
    %xor3A_119 = arith.constant -2147483648 : i32
    %xor3A_120 = vector.broadcast %xor3A_119 : i32 to vector<4x1x1x1xi32>
    %xor3A_121 = arith.xori %or3A_118, %xor3A_120 : vector<4x1x1x1xi32>
    %ge3A_122 = vector.broadcast %xor3A_121 : vector<4x1x1x1xi32> to vector<4x16x1x512xi32>
    %ge3A_123 = arith.cmpi sge, %xor3A, %ge3A_122 : vector<4x16x1x512xi32>
    %convert_element_type3A_124 = arith.extui %ge3A_123 : vector<4x16x1x512xi1> to vector<4x16x1x512xi32>
    %reduce_sum3A_125 = arith.constant dense<0> : vector<4xi32>
    %reduce_sum3A_126 = vector.multi_reduction <add>, %convert_element_type3A_124, %reduce_sum3A_125 [1, 2, 3] : vector<4x16x1x512xi32> to vector<4xi32>
    %broadcast_in_dim3A_127 = vector.shape_cast %reduce_sum3A_126 : vector<4xi32> to vector<4x1x1x1xi32>
    %ge3A_128 = arith.constant 256 : i32
    %ge3A_129 = vector.broadcast %ge3A_128 : i32 to vector<4x1x1x1xi32>
    %ge3A_130 = arith.cmpi sge, %broadcast_in_dim3A_127, %ge3A_129 : vector<4x1x1x1xi32>
    %select_n3A_131 = arith.select %ge3A_130, %or3A_118, %select_n3A_115 : vector<4x1x1x1xi1>, vector<4x1x1x1xi32>
    %or3A_132 = arith.constant 8388608 : i32
    %or3A_133 = vector.broadcast %or3A_132 : i32 to vector<4x1x1x1xi32>
    %or3A_134 = arith.ori %select_n3A_131, %or3A_133 : vector<4x1x1x1xi32>
    %xor3A_135 = arith.constant -2147483648 : i32
    %xor3A_136 = vector.broadcast %xor3A_135 : i32 to vector<4x1x1x1xi32>
    %xor3A_137 = arith.xori %or3A_134, %xor3A_136 : vector<4x1x1x1xi32>
    %ge3A_138 = vector.broadcast %xor3A_137 : vector<4x1x1x1xi32> to vector<4x16x1x512xi32>
    %ge3A_139 = arith.cmpi sge, %xor3A, %ge3A_138 : vector<4x16x1x512xi32>
    %convert_element_type3A_140 = arith.extui %ge3A_139 : vector<4x16x1x512xi1> to vector<4x16x1x512xi32>
    %reduce_sum3A_141 = arith.constant dense<0> : vector<4xi32>
    %reduce_sum3A_142 = vector.multi_reduction <add>, %convert_element_type3A_140, %reduce_sum3A_141 [1, 2, 3] : vector<4x16x1x512xi32> to vector<4xi32>
    %broadcast_in_dim3A_143 = vector.shape_cast %reduce_sum3A_142 : vector<4xi32> to vector<4x1x1x1xi32>
    %ge3A_144 = arith.constant 256 : i32
    %ge3A_145 = vector.broadcast %ge3A_144 : i32 to vector<4x1x1x1xi32>
    %ge3A_146 = arith.cmpi sge, %broadcast_in_dim3A_143, %ge3A_145 : vector<4x1x1x1xi32>
    %select_n3A_147 = arith.select %ge3A_146, %or3A_134, %select_n3A_131 : vector<4x1x1x1xi1>, vector<4x1x1x1xi32>
    %or3A_148 = arith.constant 4194304 : i32
    %or3A_149 = vector.broadcast %or3A_148 : i32 to vector<4x1x1x1xi32>
    %or3A_150 = arith.ori %select_n3A_147, %or3A_149 : vector<4x1x1x1xi32>
    %xor3A_151 = arith.constant -2147483648 : i32
    %xor3A_152 = vector.broadcast %xor3A_151 : i32 to vector<4x1x1x1xi32>
    %xor3A_153 = arith.xori %or3A_150, %xor3A_152 : vector<4x1x1x1xi32>
    %ge3A_154 = vector.broadcast %xor3A_153 : vector<4x1x1x1xi32> to vector<4x16x1x512xi32>
    %ge3A_155 = arith.cmpi sge, %xor3A, %ge3A_154 : vector<4x16x1x512xi32>
    %convert_element_type3A_156 = arith.extui %ge3A_155 : vector<4x16x1x512xi1> to vector<4x16x1x512xi32>
    %reduce_sum3A_157 = arith.constant dense<0> : vector<4xi32>
    %reduce_sum3A_158 = vector.multi_reduction <add>, %convert_element_type3A_156, %reduce_sum3A_157 [1, 2, 3] : vector<4x16x1x512xi32> to vector<4xi32>
    %broadcast_in_dim3A_159 = vector.shape_cast %reduce_sum3A_158 : vector<4xi32> to vector<4x1x1x1xi32>
    %ge3A_160 = arith.constant 256 : i32
    %ge3A_161 = vector.broadcast %ge3A_160 : i32 to vector<4x1x1x1xi32>
    %ge3A_162 = arith.cmpi sge, %broadcast_in_dim3A_159, %ge3A_161 : vector<4x1x1x1xi32>
    %select_n3A_163 = arith.select %ge3A_162, %or3A_150, %select_n3A_147 : vector<4x1x1x1xi1>, vector<4x1x1x1xi32>
    %or3A_164 = arith.constant 2097152 : i32
    %or3A_165 = vector.broadcast %or3A_164 : i32 to vector<4x1x1x1xi32>
    %or3A_166 = arith.ori %select_n3A_163, %or3A_165 : vector<4x1x1x1xi32>
    %xor3A_167 = arith.constant -2147483648 : i32
    %xor3A_168 = vector.broadcast %xor3A_167 : i32 to vector<4x1x1x1xi32>
    %xor3A_169 = arith.xori %or3A_166, %xor3A_168 : vector<4x1x1x1xi32>
    %ge3A_170 = vector.broadcast %xor3A_169 : vector<4x1x1x1xi32> to vector<4x16x1x512xi32>
    %ge3A_171 = arith.cmpi sge, %xor3A, %ge3A_170 : vector<4x16x1x512xi32>
    %convert_element_type3A_172 = arith.extui %ge3A_171 : vector<4x16x1x512xi1> to vector<4x16x1x512xi32>
    %reduce_sum3A_173 = arith.constant dense<0> : vector<4xi32>
    %reduce_sum3A_174 = vector.multi_reduction <add>, %convert_element_type3A_172, %reduce_sum3A_173 [1, 2, 3] : vector<4x16x1x512xi32> to vector<4xi32>
    %broadcast_in_dim3A_175 = vector.shape_cast %reduce_sum3A_174 : vector<4xi32> to vector<4x1x1x1xi32>
    %ge3A_176 = arith.constant 256 : i32
    %ge3A_177 = vector.broadcast %ge3A_176 : i32 to vector<4x1x1x1xi32>
    %ge3A_178 = arith.cmpi sge, %broadcast_in_dim3A_175, %ge3A_177 : vector<4x1x1x1xi32>
    %select_n3A_179 = arith.select %ge3A_178, %or3A_166, %select_n3A_163 : vector<4x1x1x1xi1>, vector<4x1x1x1xi32>
    %or3A_180 = arith.constant 1048576 : i32
    %or3A_181 = vector.broadcast %or3A_180 : i32 to vector<4x1x1x1xi32>
    %or3A_182 = arith.ori %select_n3A_179, %or3A_181 : vector<4x1x1x1xi32>
    %xor3A_183 = arith.constant -2147483648 : i32
    %xor3A_184 = vector.broadcast %xor3A_183 : i32 to vector<4x1x1x1xi32>
    %xor3A_185 = arith.xori %or3A_182, %xor3A_184 : vector<4x1x1x1xi32>
    %ge3A_186 = vector.broadcast %xor3A_185 : vector<4x1x1x1xi32> to vector<4x16x1x512xi32>
    %ge3A_187 = arith.cmpi sge, %xor3A, %ge3A_186 : vector<4x16x1x512xi32>
    %convert_element_type3A_188 = arith.extui %ge3A_187 : vector<4x16x1x512xi1> to vector<4x16x1x512xi32>
    %reduce_sum3A_189 = arith.constant dense<0> : vector<4xi32>
    %reduce_sum3A_190 = vector.multi_reduction <add>, %convert_element_type3A_188, %reduce_sum3A_189 [1, 2, 3] : vector<4x16x1x512xi32> to vector<4xi32>
    %broadcast_in_dim3A_191 = vector.shape_cast %reduce_sum3A_190 : vector<4xi32> to vector<4x1x1x1xi32>
    %ge3A_192 = arith.constant 256 : i32
    %ge3A_193 = vector.broadcast %ge3A_192 : i32 to vector<4x1x1x1xi32>
    %ge3A_194 = arith.cmpi sge, %broadcast_in_dim3A_191, %ge3A_193 : vector<4x1x1x1xi32>
    %select_n3A_195 = arith.select %ge3A_194, %or3A_182, %select_n3A_179 : vector<4x1x1x1xi1>, vector<4x1x1x1xi32>
    %or3A_196 = arith.constant 524288 : i32
    %or3A_197 = vector.broadcast %or3A_196 : i32 to vector<4x1x1x1xi32>
    %or3A_198 = arith.ori %select_n3A_195, %or3A_197 : vector<4x1x1x1xi32>
    %xor3A_199 = arith.constant -2147483648 : i32
    %xor3A_200 = vector.broadcast %xor3A_199 : i32 to vector<4x1x1x1xi32>
    %xor3A_201 = arith.xori %or3A_198, %xor3A_200 : vector<4x1x1x1xi32>
    %ge3A_202 = vector.broadcast %xor3A_201 : vector<4x1x1x1xi32> to vector<4x16x1x512xi32>
    %ge3A_203 = arith.cmpi sge, %xor3A, %ge3A_202 : vector<4x16x1x512xi32>
    %convert_element_type3A_204 = arith.extui %ge3A_203 : vector<4x16x1x512xi1> to vector<4x16x1x512xi32>
    %reduce_sum3A_205 = arith.constant dense<0> : vector<4xi32>
    %reduce_sum3A_206 = vector.multi_reduction <add>, %convert_element_type3A_204, %reduce_sum3A_205 [1, 2, 3] : vector<4x16x1x512xi32> to vector<4xi32>
    %broadcast_in_dim3A_207 = vector.shape_cast %reduce_sum3A_206 : vector<4xi32> to vector<4x1x1x1xi32>
    %ge3A_208 = arith.constant 256 : i32
    %ge3A_209 = vector.broadcast %ge3A_208 : i32 to vector<4x1x1x1xi32>
    %ge3A_210 = arith.cmpi sge, %broadcast_in_dim3A_207, %ge3A_209 : vector<4x1x1x1xi32>
    %select_n3A_211 = arith.select %ge3A_210, %or3A_198, %select_n3A_195 : vector<4x1x1x1xi1>, vector<4x1x1x1xi32>
    %or3A_212 = arith.constant 262144 : i32
    %or3A_213 = vector.broadcast %or3A_212 : i32 to vector<4x1x1x1xi32>
    %or3A_214 = arith.ori %select_n3A_211, %or3A_213 : vector<4x1x1x1xi32>
    %xor3A_215 = arith.constant -2147483648 : i32
    %xor3A_216 = vector.broadcast %xor3A_215 : i32 to vector<4x1x1x1xi32>
    %xor3A_217 = arith.xori %or3A_214, %xor3A_216 : vector<4x1x1x1xi32>
    %ge3A_218 = vector.broadcast %xor3A_217 : vector<4x1x1x1xi32> to vector<4x16x1x512xi32>
    %ge3A_219 = arith.cmpi sge, %xor3A, %ge3A_218 : vector<4x16x1x512xi32>
    %convert_element_type3A_220 = arith.extui %ge3A_219 : vector<4x16x1x512xi1> to vector<4x16x1x512xi32>
    %reduce_sum3A_221 = arith.constant dense<0> : vector<4xi32>
    %reduce_sum3A_222 = vector.multi_reduction <add>, %convert_element_type3A_220, %reduce_sum3A_221 [1, 2, 3] : vector<4x16x1x512xi32> to vector<4xi32>
    %broadcast_in_dim3A_223 = vector.shape_cast %reduce_sum3A_222 : vector<4xi32> to vector<4x1x1x1xi32>
    %ge3A_224 = arith.constant 256 : i32
    %ge3A_225 = vector.broadcast %ge3A_224 : i32 to vector<4x1x1x1xi32>
    %ge3A_226 = arith.cmpi sge, %broadcast_in_dim3A_223, %ge3A_225 : vector<4x1x1x1xi32>
    %select_n3A_227 = arith.select %ge3A_226, %or3A_214, %select_n3A_211 : vector<4x1x1x1xi1>, vector<4x1x1x1xi32>
    %or3A_228 = arith.constant 131072 : i32
    %or3A_229 = vector.broadcast %or3A_228 : i32 to vector<4x1x1x1xi32>
    %or3A_230 = arith.ori %select_n3A_227, %or3A_229 : vector<4x1x1x1xi32>
    %xor3A_231 = arith.constant -2147483648 : i32
    %xor3A_232 = vector.broadcast %xor3A_231 : i32 to vector<4x1x1x1xi32>
    %xor3A_233 = arith.xori %or3A_230, %xor3A_232 : vector<4x1x1x1xi32>
    %ge3A_234 = vector.broadcast %xor3A_233 : vector<4x1x1x1xi32> to vector<4x16x1x512xi32>
    %ge3A_235 = arith.cmpi sge, %xor3A, %ge3A_234 : vector<4x16x1x512xi32>
    %convert_element_type3A_236 = arith.extui %ge3A_235 : vector<4x16x1x512xi1> to vector<4x16x1x512xi32>
    %reduce_sum3A_237 = arith.constant dense<0> : vector<4xi32>
    %reduce_sum3A_238 = vector.multi_reduction <add>, %convert_element_type3A_236, %reduce_sum3A_237 [1, 2, 3] : vector<4x16x1x512xi32> to vector<4xi32>
    %broadcast_in_dim3A_239 = vector.shape_cast %reduce_sum3A_238 : vector<4xi32> to vector<4x1x1x1xi32>
    %ge3A_240 = arith.constant 256 : i32
    %ge3A_241 = vector.broadcast %ge3A_240 : i32 to vector<4x1x1x1xi32>
    %ge3A_242 = arith.cmpi sge, %broadcast_in_dim3A_239, %ge3A_241 : vector<4x1x1x1xi32>
    %select_n3A_243 = arith.select %ge3A_242, %or3A_230, %select_n3A_227 : vector<4x1x1x1xi1>, vector<4x1x1x1xi32>
    %or3A_244 = arith.constant 65536 : i32
    %or3A_245 = vector.broadcast %or3A_244 : i32 to vector<4x1x1x1xi32>
    %or3A_246 = arith.ori %select_n3A_243, %or3A_245 : vector<4x1x1x1xi32>
    %xor3A_247 = arith.constant -2147483648 : i32
    %xor3A_248 = vector.broadcast %xor3A_247 : i32 to vector<4x1x1x1xi32>
    %xor3A_249 = arith.xori %or3A_246, %xor3A_248 : vector<4x1x1x1xi32>
    %ge3A_250 = vector.broadcast %xor3A_249 : vector<4x1x1x1xi32> to vector<4x16x1x512xi32>
    %ge3A_251 = arith.cmpi sge, %xor3A, %ge3A_250 : vector<4x16x1x512xi32>
    %convert_element_type3A_252 = arith.extui %ge3A_251 : vector<4x16x1x512xi1> to vector<4x16x1x512xi32>
    %reduce_sum3A_253 = arith.constant dense<0> : vector<4xi32>
    %reduce_sum3A_254 = vector.multi_reduction <add>, %convert_element_type3A_252, %reduce_sum3A_253 [1, 2, 3] : vector<4x16x1x512xi32> to vector<4xi32>
    %broadcast_in_dim3A_255 = vector.shape_cast %reduce_sum3A_254 : vector<4xi32> to vector<4x1x1x1xi32>
    %ge3A_256 = arith.constant 256 : i32
    %ge3A_257 = vector.broadcast %ge3A_256 : i32 to vector<4x1x1x1xi32>
    %ge3A_258 = arith.cmpi sge, %broadcast_in_dim3A_255, %ge3A_257 : vector<4x1x1x1xi32>
    %select_n3A_259 = arith.select %ge3A_258, %or3A_246, %select_n3A_243 : vector<4x1x1x1xi1>, vector<4x1x1x1xi32>
    %or3A_260 = arith.constant 32768 : i32
    %or3A_261 = vector.broadcast %or3A_260 : i32 to vector<4x1x1x1xi32>
    %or3A_262 = arith.ori %select_n3A_259, %or3A_261 : vector<4x1x1x1xi32>
    %xor3A_263 = arith.constant -2147483648 : i32
    %xor3A_264 = vector.broadcast %xor3A_263 : i32 to vector<4x1x1x1xi32>
    %xor3A_265 = arith.xori %or3A_262, %xor3A_264 : vector<4x1x1x1xi32>
    %ge3A_266 = vector.broadcast %xor3A_265 : vector<4x1x1x1xi32> to vector<4x16x1x512xi32>
    %ge3A_267 = arith.cmpi sge, %xor3A, %ge3A_266 : vector<4x16x1x512xi32>
    %convert_element_type3A_268 = arith.extui %ge3A_267 : vector<4x16x1x512xi1> to vector<4x16x1x512xi32>
    %reduce_sum3A_269 = arith.constant dense<0> : vector<4xi32>
    %reduce_sum3A_270 = vector.multi_reduction <add>, %convert_element_type3A_268, %reduce_sum3A_269 [1, 2, 3] : vector<4x16x1x512xi32> to vector<4xi32>
    %broadcast_in_dim3A_271 = vector.shape_cast %reduce_sum3A_270 : vector<4xi32> to vector<4x1x1x1xi32>
    %ge3A_272 = arith.constant 256 : i32
    %ge3A_273 = vector.broadcast %ge3A_272 : i32 to vector<4x1x1x1xi32>
    %ge3A_274 = arith.cmpi sge, %broadcast_in_dim3A_271, %ge3A_273 : vector<4x1x1x1xi32>
    %select_n3A_275 = arith.select %ge3A_274, %or3A_262, %select_n3A_259 : vector<4x1x1x1xi1>, vector<4x1x1x1xi32>
    %or3A_276 = arith.constant 16384 : i32
    %or3A_277 = vector.broadcast %or3A_276 : i32 to vector<4x1x1x1xi32>
    %or3A_278 = arith.ori %select_n3A_275, %or3A_277 : vector<4x1x1x1xi32>
    %xor3A_279 = arith.constant -2147483648 : i32
    %xor3A_280 = vector.broadcast %xor3A_279 : i32 to vector<4x1x1x1xi32>
    %xor3A_281 = arith.xori %or3A_278, %xor3A_280 : vector<4x1x1x1xi32>
    %ge3A_282 = vector.broadcast %xor3A_281 : vector<4x1x1x1xi32> to vector<4x16x1x512xi32>
    %ge3A_283 = arith.cmpi sge, %xor3A, %ge3A_282 : vector<4x16x1x512xi32>
    %convert_element_type3A_284 = arith.extui %ge3A_283 : vector<4x16x1x512xi1> to vector<4x16x1x512xi32>
    %reduce_sum3A_285 = arith.constant dense<0> : vector<4xi32>
    %reduce_sum3A_286 = vector.multi_reduction <add>, %convert_element_type3A_284, %reduce_sum3A_285 [1, 2, 3] : vector<4x16x1x512xi32> to vector<4xi32>
    %broadcast_in_dim3A_287 = vector.shape_cast %reduce_sum3A_286 : vector<4xi32> to vector<4x1x1x1xi32>
    %ge3A_288 = arith.constant 256 : i32
    %ge3A_289 = vector.broadcast %ge3A_288 : i32 to vector<4x1x1x1xi32>
    %ge3A_290 = arith.cmpi sge, %broadcast_in_dim3A_287, %ge3A_289 : vector<4x1x1x1xi32>
    %select_n3A_291 = arith.select %ge3A_290, %or3A_278, %select_n3A_275 : vector<4x1x1x1xi1>, vector<4x1x1x1xi32>
    %or3A_292 = arith.constant 8192 : i32
    %or3A_293 = vector.broadcast %or3A_292 : i32 to vector<4x1x1x1xi32>
    %or3A_294 = arith.ori %select_n3A_291, %or3A_293 : vector<4x1x1x1xi32>
    %xor3A_295 = arith.constant -2147483648 : i32
    %xor3A_296 = vector.broadcast %xor3A_295 : i32 to vector<4x1x1x1xi32>
    %xor3A_297 = arith.xori %or3A_294, %xor3A_296 : vector<4x1x1x1xi32>
    %ge3A_298 = vector.broadcast %xor3A_297 : vector<4x1x1x1xi32> to vector<4x16x1x512xi32>
    %ge3A_299 = arith.cmpi sge, %xor3A, %ge3A_298 : vector<4x16x1x512xi32>
    %convert_element_type3A_300 = arith.extui %ge3A_299 : vector<4x16x1x512xi1> to vector<4x16x1x512xi32>
    %reduce_sum3A_301 = arith.constant dense<0> : vector<4xi32>
    %reduce_sum3A_302 = vector.multi_reduction <add>, %convert_element_type3A_300, %reduce_sum3A_301 [1, 2, 3] : vector<4x16x1x512xi32> to vector<4xi32>
    %broadcast_in_dim3A_303 = vector.shape_cast %reduce_sum3A_302 : vector<4xi32> to vector<4x1x1x1xi32>
    %ge3A_304 = arith.constant 256 : i32
    %ge3A_305 = vector.broadcast %ge3A_304 : i32 to vector<4x1x1x1xi32>
    %ge3A_306 = arith.cmpi sge, %broadcast_in_dim3A_303, %ge3A_305 : vector<4x1x1x1xi32>
    %select_n3A_307 = arith.select %ge3A_306, %or3A_294, %select_n3A_291 : vector<4x1x1x1xi1>, vector<4x1x1x1xi32>
    %or3A_308 = arith.constant 4096 : i32
    %or3A_309 = vector.broadcast %or3A_308 : i32 to vector<4x1x1x1xi32>
    %or3A_310 = arith.ori %select_n3A_307, %or3A_309 : vector<4x1x1x1xi32>
    %xor3A_311 = arith.constant -2147483648 : i32
    %xor3A_312 = vector.broadcast %xor3A_311 : i32 to vector<4x1x1x1xi32>
    %xor3A_313 = arith.xori %or3A_310, %xor3A_312 : vector<4x1x1x1xi32>
    %ge3A_314 = vector.broadcast %xor3A_313 : vector<4x1x1x1xi32> to vector<4x16x1x512xi32>
    %ge3A_315 = arith.cmpi sge, %xor3A, %ge3A_314 : vector<4x16x1x512xi32>
    %convert_element_type3A_316 = arith.extui %ge3A_315 : vector<4x16x1x512xi1> to vector<4x16x1x512xi32>
    %reduce_sum3A_317 = arith.constant dense<0> : vector<4xi32>
    %reduce_sum3A_318 = vector.multi_reduction <add>, %convert_element_type3A_316, %reduce_sum3A_317 [1, 2, 3] : vector<4x16x1x512xi32> to vector<4xi32>
    %broadcast_in_dim3A_319 = vector.shape_cast %reduce_sum3A_318 : vector<4xi32> to vector<4x1x1x1xi32>
    %ge3A_320 = arith.constant 256 : i32
    %ge3A_321 = vector.broadcast %ge3A_320 : i32 to vector<4x1x1x1xi32>
    %ge3A_322 = arith.cmpi sge, %broadcast_in_dim3A_319, %ge3A_321 : vector<4x1x1x1xi32>
    %select_n3A_323 = arith.select %ge3A_322, %or3A_310, %select_n3A_307 : vector<4x1x1x1xi1>, vector<4x1x1x1xi32>
    %or3A_324 = arith.constant 2048 : i32
    %or3A_325 = vector.broadcast %or3A_324 : i32 to vector<4x1x1x1xi32>
    %or3A_326 = arith.ori %select_n3A_323, %or3A_325 : vector<4x1x1x1xi32>
    %xor3A_327 = arith.constant -2147483648 : i32
    %xor3A_328 = vector.broadcast %xor3A_327 : i32 to vector<4x1x1x1xi32>
    %xor3A_329 = arith.xori %or3A_326, %xor3A_328 : vector<4x1x1x1xi32>
    %ge3A_330 = vector.broadcast %xor3A_329 : vector<4x1x1x1xi32> to vector<4x16x1x512xi32>
    %ge3A_331 = arith.cmpi sge, %xor3A, %ge3A_330 : vector<4x16x1x512xi32>
    %convert_element_type3A_332 = arith.extui %ge3A_331 : vector<4x16x1x512xi1> to vector<4x16x1x512xi32>
    %reduce_sum3A_333 = arith.constant dense<0> : vector<4xi32>
    %reduce_sum3A_334 = vector.multi_reduction <add>, %convert_element_type3A_332, %reduce_sum3A_333 [1, 2, 3] : vector<4x16x1x512xi32> to vector<4xi32>
    %broadcast_in_dim3A_335 = vector.shape_cast %reduce_sum3A_334 : vector<4xi32> to vector<4x1x1x1xi32>
    %ge3A_336 = arith.constant 256 : i32
    %ge3A_337 = vector.broadcast %ge3A_336 : i32 to vector<4x1x1x1xi32>
    %ge3A_338 = arith.cmpi sge, %broadcast_in_dim3A_335, %ge3A_337 : vector<4x1x1x1xi32>
    %select_n3A_339 = arith.select %ge3A_338, %or3A_326, %select_n3A_323 : vector<4x1x1x1xi1>, vector<4x1x1x1xi32>
    %or3A_340 = arith.constant 1024 : i32
    %or3A_341 = vector.broadcast %or3A_340 : i32 to vector<4x1x1x1xi32>
    %or3A_342 = arith.ori %select_n3A_339, %or3A_341 : vector<4x1x1x1xi32>
    %xor3A_343 = arith.constant -2147483648 : i32
    %xor3A_344 = vector.broadcast %xor3A_343 : i32 to vector<4x1x1x1xi32>
    %xor3A_345 = arith.xori %or3A_342, %xor3A_344 : vector<4x1x1x1xi32>
    %ge3A_346 = vector.broadcast %xor3A_345 : vector<4x1x1x1xi32> to vector<4x16x1x512xi32>
    %ge3A_347 = arith.cmpi sge, %xor3A, %ge3A_346 : vector<4x16x1x512xi32>
    %convert_element_type3A_348 = arith.extui %ge3A_347 : vector<4x16x1x512xi1> to vector<4x16x1x512xi32>
    %reduce_sum3A_349 = arith.constant dense<0> : vector<4xi32>
    %reduce_sum3A_350 = vector.multi_reduction <add>, %convert_element_type3A_348, %reduce_sum3A_349 [1, 2, 3] : vector<4x16x1x512xi32> to vector<4xi32>
    %broadcast_in_dim3A_351 = vector.shape_cast %reduce_sum3A_350 : vector<4xi32> to vector<4x1x1x1xi32>
    %ge3A_352 = arith.constant 256 : i32
    %ge3A_353 = vector.broadcast %ge3A_352 : i32 to vector<4x1x1x1xi32>
    %ge3A_354 = arith.cmpi sge, %broadcast_in_dim3A_351, %ge3A_353 : vector<4x1x1x1xi32>
    %select_n3A_355 = arith.select %ge3A_354, %or3A_342, %select_n3A_339 : vector<4x1x1x1xi1>, vector<4x1x1x1xi32>
    %or3A_356 = arith.constant 512 : i32
    %or3A_357 = vector.broadcast %or3A_356 : i32 to vector<4x1x1x1xi32>
    %or3A_358 = arith.ori %select_n3A_355, %or3A_357 : vector<4x1x1x1xi32>
    %xor3A_359 = arith.constant -2147483648 : i32
    %xor3A_360 = vector.broadcast %xor3A_359 : i32 to vector<4x1x1x1xi32>
    %xor3A_361 = arith.xori %or3A_358, %xor3A_360 : vector<4x1x1x1xi32>
    %ge3A_362 = vector.broadcast %xor3A_361 : vector<4x1x1x1xi32> to vector<4x16x1x512xi32>
    %ge3A_363 = arith.cmpi sge, %xor3A, %ge3A_362 : vector<4x16x1x512xi32>
    %convert_element_type3A_364 = arith.extui %ge3A_363 : vector<4x16x1x512xi1> to vector<4x16x1x512xi32>
    %reduce_sum3A_365 = arith.constant dense<0> : vector<4xi32>
    %reduce_sum3A_366 = vector.multi_reduction <add>, %convert_element_type3A_364, %reduce_sum3A_365 [1, 2, 3] : vector<4x16x1x512xi32> to vector<4xi32>
    %broadcast_in_dim3A_367 = vector.shape_cast %reduce_sum3A_366 : vector<4xi32> to vector<4x1x1x1xi32>
    %ge3A_368 = arith.constant 256 : i32
    %ge3A_369 = vector.broadcast %ge3A_368 : i32 to vector<4x1x1x1xi32>
    %ge3A_370 = arith.cmpi sge, %broadcast_in_dim3A_367, %ge3A_369 : vector<4x1x1x1xi32>
    %select_n3A_371 = arith.select %ge3A_370, %or3A_358, %select_n3A_355 : vector<4x1x1x1xi1>, vector<4x1x1x1xi32>
    %or3A_372 = arith.constant 256 : i32
    %or3A_373 = vector.broadcast %or3A_372 : i32 to vector<4x1x1x1xi32>
    %or3A_374 = arith.ori %select_n3A_371, %or3A_373 : vector<4x1x1x1xi32>
    %xor3A_375 = arith.constant -2147483648 : i32
    %xor3A_376 = vector.broadcast %xor3A_375 : i32 to vector<4x1x1x1xi32>
    %xor3A_377 = arith.xori %or3A_374, %xor3A_376 : vector<4x1x1x1xi32>
    %ge3A_378 = vector.broadcast %xor3A_377 : vector<4x1x1x1xi32> to vector<4x16x1x512xi32>
    %ge3A_379 = arith.cmpi sge, %xor3A, %ge3A_378 : vector<4x16x1x512xi32>
    %convert_element_type3A_380 = arith.extui %ge3A_379 : vector<4x16x1x512xi1> to vector<4x16x1x512xi32>
    %reduce_sum3A_381 = arith.constant dense<0> : vector<4xi32>
    %reduce_sum3A_382 = vector.multi_reduction <add>, %convert_element_type3A_380, %reduce_sum3A_381 [1, 2, 3] : vector<4x16x1x512xi32> to vector<4xi32>
    %broadcast_in_dim3A_383 = vector.shape_cast %reduce_sum3A_382 : vector<4xi32> to vector<4x1x1x1xi32>
    %ge3A_384 = arith.constant 256 : i32
    %ge3A_385 = vector.broadcast %ge3A_384 : i32 to vector<4x1x1x1xi32>
    %ge3A_386 = arith.cmpi sge, %broadcast_in_dim3A_383, %ge3A_385 : vector<4x1x1x1xi32>
    %select_n3A_387 = arith.select %ge3A_386, %or3A_374, %select_n3A_371 : vector<4x1x1x1xi1>, vector<4x1x1x1xi32>
    %or3A_388 = arith.constant 128 : i32
    %or3A_389 = vector.broadcast %or3A_388 : i32 to vector<4x1x1x1xi32>
    %or3A_390 = arith.ori %select_n3A_387, %or3A_389 : vector<4x1x1x1xi32>
    %xor3A_391 = arith.constant -2147483648 : i32
    %xor3A_392 = vector.broadcast %xor3A_391 : i32 to vector<4x1x1x1xi32>
    %xor3A_393 = arith.xori %or3A_390, %xor3A_392 : vector<4x1x1x1xi32>
    %ge3A_394 = vector.broadcast %xor3A_393 : vector<4x1x1x1xi32> to vector<4x16x1x512xi32>
    %ge3A_395 = arith.cmpi sge, %xor3A, %ge3A_394 : vector<4x16x1x512xi32>
    %convert_element_type3A_396 = arith.extui %ge3A_395 : vector<4x16x1x512xi1> to vector<4x16x1x512xi32>
    %reduce_sum3A_397 = arith.constant dense<0> : vector<4xi32>
    %reduce_sum3A_398 = vector.multi_reduction <add>, %convert_element_type3A_396, %reduce_sum3A_397 [1, 2, 3] : vector<4x16x1x512xi32> to vector<4xi32>
    %broadcast_in_dim3A_399 = vector.shape_cast %reduce_sum3A_398 : vector<4xi32> to vector<4x1x1x1xi32>
    %ge3A_400 = arith.constant 256 : i32
    %ge3A_401 = vector.broadcast %ge3A_400 : i32 to vector<4x1x1x1xi32>
    %ge3A_402 = arith.cmpi sge, %broadcast_in_dim3A_399, %ge3A_401 : vector<4x1x1x1xi32>
    %select_n3A_403 = arith.select %ge3A_402, %or3A_390, %select_n3A_387 : vector<4x1x1x1xi1>, vector<4x1x1x1xi32>
    %or3A_404 = arith.constant 64 : i32
    %or3A_405 = vector.broadcast %or3A_404 : i32 to vector<4x1x1x1xi32>
    %or3A_406 = arith.ori %select_n3A_403, %or3A_405 : vector<4x1x1x1xi32>
    %xor3A_407 = arith.constant -2147483648 : i32
    %xor3A_408 = vector.broadcast %xor3A_407 : i32 to vector<4x1x1x1xi32>
    %xor3A_409 = arith.xori %or3A_406, %xor3A_408 : vector<4x1x1x1xi32>
    %ge3A_410 = vector.broadcast %xor3A_409 : vector<4x1x1x1xi32> to vector<4x16x1x512xi32>
    %ge3A_411 = arith.cmpi sge, %xor3A, %ge3A_410 : vector<4x16x1x512xi32>
    %convert_element_type3A_412 = arith.extui %ge3A_411 : vector<4x16x1x512xi1> to vector<4x16x1x512xi32>
    %reduce_sum3A_413 = arith.constant dense<0> : vector<4xi32>
    %reduce_sum3A_414 = vector.multi_reduction <add>, %convert_element_type3A_412, %reduce_sum3A_413 [1, 2, 3] : vector<4x16x1x512xi32> to vector<4xi32>
    %broadcast_in_dim3A_415 = vector.shape_cast %reduce_sum3A_414 : vector<4xi32> to vector<4x1x1x1xi32>
    %ge3A_416 = arith.constant 256 : i32
    %ge3A_417 = vector.broadcast %ge3A_416 : i32 to vector<4x1x1x1xi32>
    %ge3A_418 = arith.cmpi sge, %broadcast_in_dim3A_415, %ge3A_417 : vector<4x1x1x1xi32>
    %select_n3A_419 = arith.select %ge3A_418, %or3A_406, %select_n3A_403 : vector<4x1x1x1xi1>, vector<4x1x1x1xi32>
    %or3A_420 = arith.constant 32 : i32
    %or3A_421 = vector.broadcast %or3A_420 : i32 to vector<4x1x1x1xi32>
    %or3A_422 = arith.ori %select_n3A_419, %or3A_421 : vector<4x1x1x1xi32>
    %xor3A_423 = arith.constant -2147483648 : i32
    %xor3A_424 = vector.broadcast %xor3A_423 : i32 to vector<4x1x1x1xi32>
    %xor3A_425 = arith.xori %or3A_422, %xor3A_424 : vector<4x1x1x1xi32>
    %ge3A_426 = vector.broadcast %xor3A_425 : vector<4x1x1x1xi32> to vector<4x16x1x512xi32>
    %ge3A_427 = arith.cmpi sge, %xor3A, %ge3A_426 : vector<4x16x1x512xi32>
    %convert_element_type3A_428 = arith.extui %ge3A_427 : vector<4x16x1x512xi1> to vector<4x16x1x512xi32>
    %reduce_sum3A_429 = arith.constant dense<0> : vector<4xi32>
    %reduce_sum3A_430 = vector.multi_reduction <add>, %convert_element_type3A_428, %reduce_sum3A_429 [1, 2, 3] : vector<4x16x1x512xi32> to vector<4xi32>
    %broadcast_in_dim3A_431 = vector.shape_cast %reduce_sum3A_430 : vector<4xi32> to vector<4x1x1x1xi32>
    %ge3A_432 = arith.constant 256 : i32
    %ge3A_433 = vector.broadcast %ge3A_432 : i32 to vector<4x1x1x1xi32>
    %ge3A_434 = arith.cmpi sge, %broadcast_in_dim3A_431, %ge3A_433 : vector<4x1x1x1xi32>
    %select_n3A_435 = arith.select %ge3A_434, %or3A_422, %select_n3A_419 : vector<4x1x1x1xi1>, vector<4x1x1x1xi32>
    %or3A_436 = arith.constant 16 : i32
    %or3A_437 = vector.broadcast %or3A_436 : i32 to vector<4x1x1x1xi32>
    %or3A_438 = arith.ori %select_n3A_435, %or3A_437 : vector<4x1x1x1xi32>
    %xor3A_439 = arith.constant -2147483648 : i32
    %xor3A_440 = vector.broadcast %xor3A_439 : i32 to vector<4x1x1x1xi32>
    %xor3A_441 = arith.xori %or3A_438, %xor3A_440 : vector<4x1x1x1xi32>
    %ge3A_442 = vector.broadcast %xor3A_441 : vector<4x1x1x1xi32> to vector<4x16x1x512xi32>
    %ge3A_443 = arith.cmpi sge, %xor3A, %ge3A_442 : vector<4x16x1x512xi32>
    %convert_element_type3A_444 = arith.extui %ge3A_443 : vector<4x16x1x512xi1> to vector<4x16x1x512xi32>
    %reduce_sum3A_445 = arith.constant dense<0> : vector<4xi32>
    %reduce_sum3A_446 = vector.multi_reduction <add>, %convert_element_type3A_444, %reduce_sum3A_445 [1, 2, 3] : vector<4x16x1x512xi32> to vector<4xi32>
    %broadcast_in_dim3A_447 = vector.shape_cast %reduce_sum3A_446 : vector<4xi32> to vector<4x1x1x1xi32>
    %ge3A_448 = arith.constant 256 : i32
    %ge3A_449 = vector.broadcast %ge3A_448 : i32 to vector<4x1x1x1xi32>
    %ge3A_450 = arith.cmpi sge, %broadcast_in_dim3A_447, %ge3A_449 : vector<4x1x1x1xi32>
    %select_n3A_451 = arith.select %ge3A_450, %or3A_438, %select_n3A_435 : vector<4x1x1x1xi1>, vector<4x1x1x1xi32>
    %or3A_452 = arith.constant 8 : i32
    %or3A_453 = vector.broadcast %or3A_452 : i32 to vector<4x1x1x1xi32>
    %or3A_454 = arith.ori %select_n3A_451, %or3A_453 : vector<4x1x1x1xi32>
    %xor3A_455 = arith.constant -2147483648 : i32
    %xor3A_456 = vector.broadcast %xor3A_455 : i32 to vector<4x1x1x1xi32>
    %xor3A_457 = arith.xori %or3A_454, %xor3A_456 : vector<4x1x1x1xi32>
    %ge3A_458 = vector.broadcast %xor3A_457 : vector<4x1x1x1xi32> to vector<4x16x1x512xi32>
    %ge3A_459 = arith.cmpi sge, %xor3A, %ge3A_458 : vector<4x16x1x512xi32>
    %convert_element_type3A_460 = arith.extui %ge3A_459 : vector<4x16x1x512xi1> to vector<4x16x1x512xi32>
    %reduce_sum3A_461 = arith.constant dense<0> : vector<4xi32>
    %reduce_sum3A_462 = vector.multi_reduction <add>, %convert_element_type3A_460, %reduce_sum3A_461 [1, 2, 3] : vector<4x16x1x512xi32> to vector<4xi32>
    %broadcast_in_dim3A_463 = vector.shape_cast %reduce_sum3A_462 : vector<4xi32> to vector<4x1x1x1xi32>
    %ge3A_464 = arith.constant 256 : i32
    %ge3A_465 = vector.broadcast %ge3A_464 : i32 to vector<4x1x1x1xi32>
    %ge3A_466 = arith.cmpi sge, %broadcast_in_dim3A_463, %ge3A_465 : vector<4x1x1x1xi32>
    %select_n3A_467 = arith.select %ge3A_466, %or3A_454, %select_n3A_451 : vector<4x1x1x1xi1>, vector<4x1x1x1xi32>
    %or3A_468 = arith.constant 4 : i32
    %or3A_469 = vector.broadcast %or3A_468 : i32 to vector<4x1x1x1xi32>
    %or3A_470 = arith.ori %select_n3A_467, %or3A_469 : vector<4x1x1x1xi32>
    %xor3A_471 = arith.constant -2147483648 : i32
    %xor3A_472 = vector.broadcast %xor3A_471 : i32 to vector<4x1x1x1xi32>
    %xor3A_473 = arith.xori %or3A_470, %xor3A_472 : vector<4x1x1x1xi32>
    %ge3A_474 = vector.broadcast %xor3A_473 : vector<4x1x1x1xi32> to vector<4x16x1x512xi32>
    %ge3A_475 = arith.cmpi sge, %xor3A, %ge3A_474 : vector<4x16x1x512xi32>
    %convert_element_type3A_476 = arith.extui %ge3A_475 : vector<4x16x1x512xi1> to vector<4x16x1x512xi32>
    %reduce_sum3A_477 = arith.constant dense<0> : vector<4xi32>
    %reduce_sum3A_478 = vector.multi_reduction <add>, %convert_element_type3A_476, %reduce_sum3A_477 [1, 2, 3] : vector<4x16x1x512xi32> to vector<4xi32>
    %broadcast_in_dim3A_479 = vector.shape_cast %reduce_sum3A_478 : vector<4xi32> to vector<4x1x1x1xi32>
    %ge3A_480 = arith.constant 256 : i32
    %ge3A_481 = vector.broadcast %ge3A_480 : i32 to vector<4x1x1x1xi32>
    %ge3A_482 = arith.cmpi sge, %broadcast_in_dim3A_479, %ge3A_481 : vector<4x1x1x1xi32>
    %select_n3A_483 = arith.select %ge3A_482, %or3A_470, %select_n3A_467 : vector<4x1x1x1xi1>, vector<4x1x1x1xi32>
    %or3A_484 = arith.constant 2 : i32
    %or3A_485 = vector.broadcast %or3A_484 : i32 to vector<4x1x1x1xi32>
    %or3A_486 = arith.ori %select_n3A_483, %or3A_485 : vector<4x1x1x1xi32>
    %xor3A_487 = arith.constant -2147483648 : i32
    %xor3A_488 = vector.broadcast %xor3A_487 : i32 to vector<4x1x1x1xi32>
    %xor3A_489 = arith.xori %or3A_486, %xor3A_488 : vector<4x1x1x1xi32>
    %ge3A_490 = vector.broadcast %xor3A_489 : vector<4x1x1x1xi32> to vector<4x16x1x512xi32>
    %ge3A_491 = arith.cmpi sge, %xor3A, %ge3A_490 : vector<4x16x1x512xi32>
    %convert_element_type3A_492 = arith.extui %ge3A_491 : vector<4x16x1x512xi1> to vector<4x16x1x512xi32>
    %reduce_sum3A_493 = arith.constant dense<0> : vector<4xi32>
    %reduce_sum3A_494 = vector.multi_reduction <add>, %convert_element_type3A_492, %reduce_sum3A_493 [1, 2, 3] : vector<4x16x1x512xi32> to vector<4xi32>
    %broadcast_in_dim3A_495 = vector.shape_cast %reduce_sum3A_494 : vector<4xi32> to vector<4x1x1x1xi32>
    %ge3A_496 = arith.constant 256 : i32
    %ge3A_497 = vector.broadcast %ge3A_496 : i32 to vector<4x1x1x1xi32>
    %ge3A_498 = arith.cmpi sge, %broadcast_in_dim3A_495, %ge3A_497 : vector<4x1x1x1xi32>
    %select_n3A_499 = arith.select %ge3A_498, %or3A_486, %select_n3A_483 : vector<4x1x1x1xi1>, vector<4x1x1x1xi32>
    %or3A_500 = arith.constant 1 : i32
    %or3A_501 = vector.broadcast %or3A_500 : i32 to vector<4x1x1x1xi32>
    %or3A_502 = arith.ori %select_n3A_499, %or3A_501 : vector<4x1x1x1xi32>
    %xor3A_503 = arith.constant -2147483648 : i32
    %xor3A_504 = vector.broadcast %xor3A_503 : i32 to vector<4x1x1x1xi32>
    %xor3A_505 = arith.xori %or3A_502, %xor3A_504 : vector<4x1x1x1xi32>
    %ge3A_506 = vector.broadcast %xor3A_505 : vector<4x1x1x1xi32> to vector<4x16x1x512xi32>
    %ge3A_507 = arith.cmpi sge, %xor3A, %ge3A_506 : vector<4x16x1x512xi32>
    %convert_element_type3A_508 = arith.extui %ge3A_507 : vector<4x16x1x512xi1> to vector<4x16x1x512xi32>
    %reduce_sum3A_509 = arith.constant dense<0> : vector<4xi32>
    %reduce_sum3A_510 = vector.multi_reduction <add>, %convert_element_type3A_508, %reduce_sum3A_509 [1, 2, 3] : vector<4x16x1x512xi32> to vector<4xi32>
    %broadcast_in_dim3A_511 = vector.shape_cast %reduce_sum3A_510 : vector<4xi32> to vector<4x1x1x1xi32>
    %ge3A_512 = arith.constant 256 : i32
    %ge3A_513 = vector.broadcast %ge3A_512 : i32 to vector<4x1x1x1xi32>
    %ge3A_514 = arith.cmpi sge, %broadcast_in_dim3A_511, %ge3A_513 : vector<4x1x1x1xi32>
    %select_n3A_515 = arith.select %ge3A_514, %or3A_502, %select_n3A_499 : vector<4x1x1x1xi1>, vector<4x1x1x1xi32>
    %xor3A_516 = arith.constant -2147483648 : i32
    %xor3A_517 = vector.broadcast %xor3A_516 : i32 to vector<4x1x1x1xi32>
    %xor3A_518 = arith.xori %select_n3A_515, %xor3A_517 : vector<4x1x1x1xi32>
    %shift_right_arithmetic3A_519 = arith.constant 31 : i32
    %shift_right_arithmetic3A_520 = vector.broadcast %shift_right_arithmetic3A_519 : i32 to vector<4x1x1x1xi32>
    %shift_right_arithmetic3A_521 = arith.shrsi %xor3A_518, %shift_right_arithmetic3A_520 : vector<4x1x1x1xi32>
    %and3A_522 = arith.constant 2147483647 : i32
    %and3A_523 = vector.broadcast %and3A_522 : i32 to vector<4x1x1x1xi32>
    %and3A_524 = arith.andi %shift_right_arithmetic3A_521, %and3A_523 : vector<4x1x1x1xi32>
    %xor3A_525 = arith.xori %xor3A_518, %and3A_524 : vector<4x1x1x1xi32>
    %bitcast_convert_type3A_526 = tpu.bitcast %xor3A_525 : vector<4x1x1x1xi32> -> vector<4x1x1x1xf32>
    %reshape3A = vector.shape_cast %bitcast_convert_type3A_526 : vector<4x1x1x1xf32> to vector<4x1xf32>
    %iota3A = tpu.iota {dimensions = array<i32: 1>} : vector<4x16xi32>
    %iota3A_527 = tpu.iota {dimensions = array<i32: 0>} : vector<4x16xi32>
    %eq3A = arith.cmpi eq, %iota3A, %iota3A_527 : vector<4x16xi32>
    %jit3A = arith.constant 0.000000e+00 : f32
    %broadcast_in_dim3A_528 = vector.shape_cast %reshape3A : vector<4x1xf32> to vector<4x1xf32>
    %broadcast_in_dim3A_529 = vector.broadcast %broadcast_in_dim3A_528 : vector<4x1xf32> to vector<4x16xf32>
    %broadcast_in_dim3A_530 = vector.broadcast %jit3A : f32 to vector<4x16xf32>
    %select_n3A_531 = arith.select %eq3A, %broadcast_in_dim3A_529, %broadcast_in_dim3A_530 : vector<4x16xi1>, vector<4x16xf32>
    %reduce_sum3A_532 = arith.constant dense<0.000000e+00> : vector<16xf32>
    %reduce_sum3A_533 = vector.multi_reduction <add>, %select_n3A_531, %reduce_sum3A_532 [0] : vector<4x16xf32> to vector<16xf32>
    %broadcast_in_dim3A_534 = vector.shape_cast %reduce_sum3A_533 : vector<16xf32> to vector<1x16xf32>
    %swap3A = arith.constant 0 : index
    %swap3A_535 = arith.constant 0 : index
    %swap3A_536 = vector.load %arg1[%swap3A, %swap3A_535] : memref<1x16xf32, #tpu.memory_space<vmem>>, vector<1x16xf32>
    tpu.vector_store %arg1[%swap3A, %swap3A_535], %broadcast_in_dim3A_534 {strides = array<i32>} : memref<1x16xf32, #tpu.memory_space<vmem>>, vector<1x16xf32>,
    %reshape3A_537 = vector.shape_cast %get3A_3 : vector<4x16x1x512xf32> to vector<4x8x2x1x512xf32>
    %reshape3A_538 = vector.shape_cast %bitcast_convert_type3A_526 : vector<4x1x1x1xf32> to vector<4x1x1x1x1xf32>
    %gt3A = vector.broadcast %reshape3A_538 : vector<4x1x1x1x1xf32> to vector<4x8x2x1x512xf32>
    %gt3A_539 = arith.cmpf ogt, %reshape3A_537, %gt3A : vector<4x8x2x1x512xf32>
    %convert_element_type3A_540 = arith.extui %gt3A_539 : vector<4x8x2x1x512xi1> to vector<4x8x2x1x512xi32>
    %reduce_sum3A_541 = arith.constant dense<0> : vector<4x8xi32>
    %reduce_sum3A_542 = vector.multi_reduction <add>, %convert_element_type3A_540, %reduce_sum3A_541 [2, 3, 4] : vector<4x8x2x1x512xi32> to vector<4x8xi32>
    %eq3A_543 = vector.broadcast %reshape3A_538 : vector<4x1x1x1x1xf32> to vector<4x8x2x1x512xf32>
    %eq3A_544 = arith.cmpf oeq, %reshape3A_537, %eq3A_543 : vector<4x8x2x1x512xf32>
    %convert_element_type3A_545 = arith.extui %eq3A_544 : vector<4x8x2x1x512xi1> to vector<4x8x2x1x512xi32>
    %reduce_sum3A_546 = arith.constant dense<0> : vector<4x8xi32>
    %reduce_sum3A_547 = vector.multi_reduction <add>, %convert_element_type3A_545, %reduce_sum3A_546 [2, 3, 4] : vector<4x8x2x1x512xi32> to vector<4x8xi32>
    %broadcast_in_dim3A_548 = arith.constant 0 : i32
    %broadcast_in_dim3A_549 = vector.broadcast %broadcast_in_dim3A_548 : i32 to vector<4x1xi32>
    %slice3A = vector.extract_strided_slice %reduce_sum3A_542 {offsets = [0, 0], sizes = [4, 1], strides = [1, 1]} : vector<4x8xi32> to vector<4x1xi32>
    %add3A = arith.addi %broadcast_in_dim3A_549, %slice3A : vector<4x1xi32>
    %slice3A_550 = vector.extract_strided_slice %reduce_sum3A_547 {offsets = [0, 0], sizes = [4, 1], strides = [1, 1]} : vector<4x8xi32> to vector<4x1xi32>
    %add3A_551 = arith.addi %broadcast_in_dim3A_549, %slice3A_550 : vector<4x1xi32>
    %slice3A_552 = vector.extract_strided_slice %reduce_sum3A_542 {offsets = [0, 1], sizes = [4, 1], strides = [1, 1]} : vector<4x8xi32> to vector<4x1xi32>
    %add3A_553 = arith.addi %add3A, %slice3A_552 : vector<4x1xi32>
    %slice3A_554 = vector.extract_strided_slice %reduce_sum3A_547 {offsets = [0, 1], sizes = [4, 1], strides = [1, 1]} : vector<4x8xi32> to vector<4x1xi32>
    %add3A_555 = arith.addi %add3A_551, %slice3A_554 : vector<4x1xi32>
    %slice3A_556 = vector.extract_strided_slice %reduce_sum3A_542 {offsets = [0, 2], sizes = [4, 1], strides = [1, 1]} : vector<4x8xi32> to vector<4x1xi32>
    %add3A_557 = arith.addi %add3A_553, %slice3A_556 : vector<4x1xi32>
    %slice3A_558 = vector.extract_strided_slice %reduce_sum3A_547 {offsets = [0, 2], sizes = [4, 1], strides = [1, 1]} : vector<4x8xi32> to vector<4x1xi32>
    %add3A_559 = arith.addi %add3A_555, %slice3A_558 : vector<4x1xi32>
    %slice3A_560 = vector.extract_strided_slice %reduce_sum3A_542 {offsets = [0, 3], sizes = [4, 1], strides = [1, 1]} : vector<4x8xi32> to vector<4x1xi32>
    %add3A_561 = arith.addi %add3A_557, %slice3A_560 : vector<4x1xi32>
    %slice3A_562 = vector.extract_strided_slice %reduce_sum3A_547 {offsets = [0, 3], sizes = [4, 1], strides = [1, 1]} : vector<4x8xi32> to vector<4x1xi32>
    %add3A_563 = arith.addi %add3A_559, %slice3A_562 : vector<4x1xi32>
    %slice3A_564 = vector.extract_strided_slice %reduce_sum3A_542 {offsets = [0, 4], sizes = [4, 1], strides = [1, 1]} : vector<4x8xi32> to vector<4x1xi32>
    %add3A_565 = arith.addi %add3A_561, %slice3A_564 : vector<4x1xi32>
    %slice3A_566 = vector.extract_strided_slice %reduce_sum3A_547 {offsets = [0, 4], sizes = [4, 1], strides = [1, 1]} : vector<4x8xi32> to vector<4x1xi32>
    %add3A_567 = arith.addi %add3A_563, %slice3A_566 : vector<4x1xi32>
    %slice3A_568 = vector.extract_strided_slice %reduce_sum3A_542 {offsets = [0, 5], sizes = [4, 1], strides = [1, 1]} : vector<4x8xi32> to vector<4x1xi32>
    %add3A_569 = arith.addi %add3A_565, %slice3A_568 : vector<4x1xi32>
    %slice3A_570 = vector.extract_strided_slice %reduce_sum3A_547 {offsets = [0, 5], sizes = [4, 1], strides = [1, 1]} : vector<4x8xi32> to vector<4x1xi32>
    %add3A_571 = arith.addi %add3A_567, %slice3A_570 : vector<4x1xi32>
    %slice3A_572 = vector.extract_strided_slice %reduce_sum3A_542 {offsets = [0, 6], sizes = [4, 1], strides = [1, 1]} : vector<4x8xi32> to vector<4x1xi32>
    %add3A_573 = arith.addi %add3A_569, %slice3A_572 : vector<4x1xi32>
    %slice3A_574 = vector.extract_strided_slice %reduce_sum3A_547 {offsets = [0, 6], sizes = [4, 1], strides = [1, 1]} : vector<4x8xi32> to vector<4x1xi32>
    %add3A_575 = arith.addi %add3A_571, %slice3A_574 : vector<4x1xi32>
    %concatenate3A = tpu.concatenate %broadcast_in_dim3A_549, %add3A, %add3A_553, %add3A_557, %add3A_561, %add3A_565, %add3A_569, %add3A_573 in 1 : vector<4x1xi32>, vector<4x1xi32>, vector<4x1xi32>, vector<4x1xi32>, vector<4x1xi32>, vector<4x1xi32>, vector<4x1xi32>, vector<4x1xi32> -> vector<4x8xi32>
    %concatenate3A_576 = tpu.concatenate %broadcast_in_dim3A_549, %add3A_551, %add3A_555, %add3A_559, %add3A_563, %add3A_567, %add3A_571, %add3A_575 in 1 : vector<4x1xi32>, vector<4x1xi32>, vector<4x1xi32>, vector<4x1xi32>, vector<4x1xi32>, vector<4x1xi32>, vector<4x1xi32>, vector<4x1xi32> -> vector<4x8xi32>
    %reduce_sum3A_577 = arith.constant dense<0> : vector<4xi32>
    %reduce_sum3A_578 = vector.multi_reduction <add>, %reduce_sum3A_542, %reduce_sum3A_577 [1] : vector<4x8xi32> to vector<4xi32>
    %broadcast_in_dim3A_579 = vector.shape_cast %reduce_sum3A_578 : vector<4xi32> to vector<4x1xi32>
    %broadcast_in_dim3A_580 = vector.shape_cast %broadcast_in_dim3A_579 : vector<4x1xi32> to vector<4x1xi32>
    %broadcast_in_dim3A_581 = vector.broadcast %broadcast_in_dim3A_580 : vector<4x1xi32> to vector<4x8xi32>
    %iota3A_582 = tpu.iota {dimensions = array<i32: 2>} : vector<4x8x16xi32>
    %broadcast_in_dim3A_583 = vector.shape_cast %concatenate3A : vector<4x8xi32> to vector<4x8x1xi32>
    %broadcast_in_dim3A_584 = vector.broadcast %broadcast_in_dim3A_583 : vector<4x8x1xi32> to vector<4x8x16xi32>
    %broadcast_in_dim3A_585 = vector.shape_cast %concatenate3A_576 : vector<4x8xi32> to vector<4x8x1xi32>
    %broadcast_in_dim3A_586 = vector.broadcast %broadcast_in_dim3A_585 : vector<4x8x1xi32> to vector<4x8x16xi32>
    %broadcast_in_dim3A_587 = vector.shape_cast %broadcast_in_dim3A_581 : vector<4x8xi32> to vector<4x8x1xi32>
    %broadcast_in_dim3A_588 = vector.broadcast %broadcast_in_dim3A_587 : vector<4x8x1xi32> to vector<4x8x16xi32>
    %eq3A_589 = arith.constant 0 : i32
    %eq3A_590 = vector.broadcast %eq3A_589 : i32 to vector<4x8x16xi32>
    %eq3A_591 = arith.cmpi eq, %iota3A_582, %eq3A_590 : vector<4x8x16xi32>
    %eq3A_592 = arith.constant 1 : i32
    %eq3A_593 = vector.broadcast %eq3A_592 : i32 to vector<4x8x16xi32>
    %eq3A_594 = arith.cmpi eq, %iota3A_582, %eq3A_593 : vector<4x8x16xi32>
    %eq3A_595 = arith.constant 2 : i32
    %eq3A_596 = vector.broadcast %eq3A_595 : i32 to vector<4x8x16xi32>
    %eq3A_597 = arith.cmpi eq, %iota3A_582, %eq3A_596 : vector<4x8x16xi32>
    %jit3A_598 = arith.constant 0 : i32
    %broadcast_in_dim3A_599 = vector.broadcast %jit3A_598 : i32 to vector<4x8x16xi32>
    %select_n3A_600 = arith.select %eq3A_597, %broadcast_in_dim3A_588, %broadcast_in_dim3A_599 : vector<4x8x16xi1>, vector<4x8x16xi32>
    %select_n3A_601 = arith.select %eq3A_594, %broadcast_in_dim3A_586, %select_n3A_600 : vector<4x8x16xi1>, vector<4x8x16xi32>
    %select_n3A_602 = arith.select %eq3A_591, %broadcast_in_dim3A_584, %select_n3A_601 : vector<4x8x16xi1>, vector<4x8x16xi32>
    %swap3A_603 = arith.constant 0 : index
    %swap3A_604 = arith.constant 0 : index
    %swap3A_605 = arith.constant 0 : index
    %swap3A_606 = vector.load %arg2[%swap3A_603, %swap3A_604, %swap3A_605] : memref<4x8x16xi32, #tpu.memory_space<vmem>>, vector<4x8x16xi32>
    tpu.vector_store %arg2[%swap3A_603, %swap3A_604, %swap3A_605], %select_n3A_602 {strides = array<i32>} : memref<4x8x16xi32, #tpu.memory_space<vmem>>, vector<4x8x16xi32>,
    return
  }
}

</mosaic_0001>

<sc_bundles>
// kernel: kernel.11.cloned.1.call-start
scs
__scs_entry_jumppad:
0x0: {  	(pc) =	sbr.rel $0x88, $3  }
0x1: {  	(tag) =	ssettag $0x0;
	lr =	simm.s32 $0x1  }
0x2: {  	[smem:$0x3F9D] =	sst lr;
	_ =	strace $0xD0000000  }
0x3: {  	_ = 	snop  }
0x4: {  	_ = 	snop  }
0x5: {  	_ = 	snop  }
0x6: {  	_ = 	snop  }
0x7: {  	_ = 	snop  }
__scs_overlays_trampoline_lowered:
0x8: {  	[smem:$0x3FAC] =	sst s0  }
0x9: {  	[smem:$0x3FAD] =	sst s1  }
0xa: {  	[smem:$0x3FAE] =	sst s2  }
0xb: {  	[smem:$0x3FAF] =	sst s3  }
0xc: {  	[smem:$0x3FB0] =	sst s4  }
0xd: {  	[smem:$0x3FB1] =	sst s5  }
0xe: {  	[smem:$0x3FB2] =	sst s6  }
0xf: {  	[smem:$0x3FB3] =	sst s7  }
0x10: {  	[smem:$0x3FB4] =	sst s8  }
0x11: {  	[smem:$0x3FB5] =	sst s9;
	s0 =	simm.s32 @!p0 $0x0  }
0x12: {  	s1 =	sld [smem:$0x3F9B];
	s0 =	simm.s32 @p0 $0x1  }
0x13: {  	[smem:$0x3FB6] =	sst s0;
	s0 =	simm.s32 @!p1 $0x0  }
0x14: {  	s2 =	sld [smem:$0x3F9A];
	s0 =	simm.s32 @p1 $0x1  }
0x15: {  	[smem:$0x3FB7] =	sst s0;
	s0 =	simm.s32 @!p2 $0x0  }
0x16: {  	s3 =	sld [smem:$0x3FDB];
	s0 =	simm.s32 @p2 $0x1  }
0x17: {  	s4 =	simm.s32 $0x1BF5;
	[smem:$0x3FB9] =	sst s0  }
0x18: {  	s0 =	sld [smem:$0x3F9C];
	_ =	swait.ge [sflag:s4], $0x0  }
0x19: {  	s7 =	sld [smem:$0x3F9D]  }
0x1a: {  	s8 =	sadd.s32 $0xFFFFE003, lr  }
0x1b: {  	s9 =	sadd.s32 $0xFFFFFEF7, lr;
	s5 =	simm.s32 $0xFFFFFFFF;
	p2 =	slt.u32 s8, $0xFFFFF086  }
0x1c: {  	p1 =	slt.u32 s9, $0xF7A;
	s5 =	simm.s32 @!p2 $0x0  }
0x1d: {  	s5 =	simm.s32 @p1 $0x1;
	p0 =	seq.s32 s7, s2  }
0x1e: {  	s7 =	smul.u32 @!p0 $0xF7A, s2;
	p2 =	seq.s32 @!p0 s5, $0x0  }
0x1f: {  	s9 =	smul.u32 $0xF7A, s1;
	s8 =	simm.s32 @!p0 $0x1BF5;
	p2 =	por !p2, p0  }
0x20: {  	[sflag:s8] =	ssyncset.s32 @!p0 $0xFFFFF086;
	s6 =	sadd.s32 @!p0 s3, s7;
	s7 =	simm.s32 @!p0 $0x108  }
0x21: {  	s3 =	sadd.s32 s3, s9;
	s6 =	sadd.s32 @!p0 $0x88, s6;
	s7 =	simm.s32 @p2 $0x1082  }
0x22: {  	[simem:s7], [sflag:s8] =	dma.local @!p0 [hbm:s6], $0xF7A  }
0x23: {  	s9 =	sor.u32 $0xD0000000, s2;
	s6 =	simm.s32 $0x108;
	_ =	swait.ge @!p0 [sflag:s8], $0x0  }
0x24: {  	s3 =	sadd.s32 $0x88, s3;
	s6 =	simm.s32 @!p1 $0x1082;
	[sflag:s4] =	ssyncset.s32 $0xFFFFF086  }
0x25: {  	[simem:s6], [sflag:s4] =	dma.local [hbm:s3], $0xF7A  }
0x26: {  	[smem:$0x3F9D] =	sst s1;
	(tag) =	ssettag s2;
	_ =	strace s9  }
0x27: {  	s1 =	sld [smem:$0x3FAD]  }
0x28: {  	s2 =	sld [smem:$0x3FAE]  }
0x29: {  	s4 =	sld [smem:$0x3FB0]  }
0x2a: {  	p0 =	seq.s32 s5, $0x0;
	s5 =	sld [smem:$0x3FB1]  }
0x2b: {  	s6 =	sld [smem:$0x3FB2]  }
0x2c: {  	s7 =	sld [smem:$0x3FB3]  }
0x2d: {  	s3 =	simm.s32 $0x108;
	s8 =	sld [smem:$0x3FB4]  }
0x2e: {  	s3 =	simm.s32 @!p0 $0x1082;
	s9 =	sld [smem:$0x3FB5]  }
0x2f: {  	lr =	sadd.s32 s0, s3;
	s0 =	sld [smem:$0x3FAC]  }
0x30: {  	s3 =	sld [smem:$0x3FAF]  }
0x31: {  	[smem:$0x3FB8] =	sst s10  }
0x32: {  	s10 =	sld [smem:$0x3FB6];
	_ =	sdelay $0x3  }
0x33: {  	p0 =	seq.s32 s10, $0x1;
	s10 =	sld [smem:$0x3FB8];
	_ =	sdelay $0x3  }
0x34: {  	[smem:$0x3FB8] =	sst s10  }
0x35: {  	s10 =	sld [smem:$0x3FB7];
	_ =	sdelay $0x3  }
0x36: {  	p1 =	seq.s32 s10, $0x1;
	s10 =	sld [smem:$0x3FB8];
	_ =	sdelay $0x3  }
0x37: {  	[smem:$0x3FB8] =	sst s10  }
0x38: {  	s10 =	sld [smem:$0x3FB9]  }
0x39: {  	_ = 	snop;
	(pc) =	sbr.ind lr, $3  }
0x3a: {  	_ = 	snop  }
0x3b: {  	_ = 	snop  }
0x3c: {  	p2 =	seq.s32 s10, $0x1;
	s10 =	sld [smem:$0x3FB8]  }
0x3d: {  	_ =	shalt  }
0x3e: {  	_ =	shalt  }
0x3f: {  	_ =	shalt  }
0x40: {  	_ =	shalt  }
0x41: {  	_ =	shalt  }
0x42: {  	_ =	shalt  }
0x43: {  	_ =	shalt  }
0x44: {  	_ =	shalt  }
0x45: {  	_ =	shalt  }
0x46: {  	_ =	shalt  }
0x47: {  	_ =	shalt  }
0x48: {  	_ =	shalt  }
0x49: {  	_ =	shalt  }
0x4a: {  	_ =	shalt  }
0x4b: {  	_ =	shalt  }
0x4c: {  	_ =	shalt  }
0x4d: {  	_ =	shalt  }
0x4e: {  	_ =	shalt  }
0x4f: {  	_ =	shalt  }
0x50: {  	_ =	shalt  }
0x51: {  	_ =	shalt  }
0x52: {  	_ =	shalt  }
0x53: {  	_ =	shalt  }
0x54: {  	_ =	shalt  }
0x55: {  	_ =	shalt  }
0x56: {  	_ =	shalt  }
0x57: {  	_ =	shalt  }
0x58: {  	_ =	shalt  }
0x59: {  	_ =	shalt  }
0x5a: {  	_ =	shalt  }
0x5b: {  	_ =	shalt  }
0x5c: {  	_ =	shalt  }
0x5d: {  	_ =	shalt  }
0x5e: {  	_ =	shalt  }
0x5f: {  	_ =	shalt  }
0x60: {  	_ =	shalt  }
0x61: {  	_ =	shalt  }
0x62: {  	_ =	shalt  }
0x63: {  	_ =	shalt  }
0x64: {  	_ =	shalt  }
0x65: {  	_ =	shalt  }
0x66: {  	_ =	shalt  }
0x67: {  	_ =	shalt  }
0x68: {  	_ =	shalt  }
0x69: {  	_ =	shalt  }
0x6a: {  	_ =	shalt  }
0x6b: {  	_ =	shalt  }
0x6c: {  	_ =	shalt  }
0x6d: {  	_ =	shalt  }
0x6e: {  	_ =	shalt  }
0x6f: {  	_ =	shalt  }
0x70: {  	_ =	shalt  }
0x71: {  	_ =	shalt  }
0x72: {  	_ =	shalt  }
0x73: {  	_ =	shalt  }
0x74: {  	_ =	shalt  }
0x75: {  	_ =	shalt  }
0x76: {  	_ =	shalt  }
0x77: {  	_ =	shalt  }
0x78: {  	_ =	shalt  }
0x79: {  	_ =	shalt  }
0x7a: {  	_ =	shalt  }
0x7b: {  	_ =	shalt  }
0x7c: {  	_ =	shalt  }
0x7d: {  	_ =	shalt  }
0x7e: {  	_ =	shalt  }
0x7f: {  	_ =	shalt  }
0x80: {  	_ =	shalt  }
0x81: {  	_ =	shalt  }
0x82: {  	_ =	shalt  }
0x83: {  	_ =	shalt  }
0x84: {  	_ =	shalt  }
0x85: {  	_ =	shalt  }
0x86: {  	_ =	shalt  }
0x87: {  	_ =	shalt  }
.Lfunc_end0:
.L_simem_size_0:
called_computation.1_lowered:
.L_overlay_start_0:
0x88: {  	s2 =	sld [smem:$0x3FD9]  }
0x89: {  	s3 =	sld [smem:$0x3FFE];
	_ =	sdelay $0x1  }
0x8a: {  	s1 =	srdreg.scid  }
0x8b: {  	s0 =	sand.u32 $0x1, s1  }
0x8c: {  	s17 =	sshll.u32 s0, $0xA;
	s2 =	sadd.s32 s3, s2  }
0x8d: {  	s2 =	sadd.s32 s2, s17  }
0x8e: {  	[smem:$0x3FC4] =	sst s2  }
0x8f: {  	_ = 	snop  }
0x90: {  	s2 =	sld [smem:$0x3FC9];
	(tm) =	ssettm $0x1  }
0x91: {  	s18 =	sld [smem:$0x3FFB];
	_ =	sdelay $0x3  }
0x92: {  	_ =	strace s18  }
0x93: {  	s3 =	sld [smem:$0x3FFC];
	_ =	sdelay $0x3  }
0x94: {  	_ =	strace s3  }
0x95: {  	s3 =	sld [smem:$0x3FFD];
	_ =	sdelay $0x3  }
0x96: {  	_ =	strace s3  }
0x97: {  	_ =	strace $0x8FFFFFFF  }
0x98: {  	s19 =	sld [smem:$0x3FDB];
	_ =	sdelay $0x1  }
0x99: {  	s4 =	simm.s32 $_scs_section_size  }
0x9a: {  	s5 =	simm.s32 $_size__tile_overlayer_lowered;
	s6 =	simm.s32 $_tile_overlayer_lowered  }
0x9b: {  	s22 =	simm.s32 $0x1BFF;
	s21 =	sshll.u32 s6, $0x1;
	s3 =	sadd.s32 s4, s19  }
0x9c: {  	s7 =	simm.s32 $0x0;
	s20 =	sshll.u32 s5, $0x1;
	s5 =	sadd.s32 s21, s3  }
0x9d: {  	[timem:s7], [sflag:s22] =	dma.local [hbm:s5], s20  }
0x9e: {  	_ =	swait.ge [sflag:s22], s20  }
0x9f: {  	s4 =	ssub.s32 $0x0, s20;
	[sflag:s22] =	ssyncset.done $0x0  }
0xa0: {  	[sflag:s22] =	ssyncadd.s32 s4;
	_ =	sdelay $0x1  }
0xa1: {  	s23 =	simm.s32 $0x1B8B  }
0xa2: {  	_ =	swait.ge [sflag:s23], $0x1  }
0xa3: {  	[sflag:s23] =	ssyncset.done $0x0  }
0xa4: {  	s25 =	simm.s32 $0x1B8E;
	s24 =	sld [smem:$0x3FFE];
	[sflag:s23] =	ssyncadd.s32 $0xFFFFFFFF  }
0xa5: {  	s26 =	simm.s32 $execute0_lowered;
	[smem:$0x3FD2] =	sst s25  }
0xa6: {  	s5 =	sshll.u32 s26, $0x1;
	_ =	strace $0x80000049;
	[dreg:$0x1] =	wrdreg $0xFFFFFFFF  }
0xa7: {  	s28 =	simm.s32 $_size_execute0_lowered;
	s3 =	sadd.s32 s3, s5;
	[dreg:$0x0] =	wrdreg $0x0  }
0xa8: {  	s5 =	sshll.u32 s28, $0x1;
	[dreg:$0x2] =	wrdreg s3  }
0xa9: {  	[dreg:$0x3] =	wrdreg s5  }
0xaa: {  	[dreg:$0x4] =	wrdreg $0xC0  }
0xab: {  	_ =	task [dreg:s7], $0x5FFFF  }
0xac: {  	[dreg:$0x1] =	wrdreg $0xFFFFFFFF  }
0xad: {  	[dreg:$0x0] =	wrdreg $0x60  }
0xae: {  	[dreg:$0x2] =	wrdreg s2  }
0xaf: {  	[dreg:$0x3] =	wrdreg s24  }
0xb0: {  	[dreg:$0x4] =	wrdreg $0x9  }
0xb1: {  	_ =	task.clear_ibuf [dreg:s7], $0x5FFFF;
	_ =	strace $0x90000049  }
0xb2: {  	s29 =	simm.s32 $0x9;
	_ =	strace $0x8000004B  }
0xb3: {  	_ =	swait.ge [sflag:s29], $0x1  }
0xb4: {  	[sflag:s29] =	ssyncadd.s32 $0xFFFFFFFF  }
0xb5: {  	_ =	strace $0x9000004B  }
0xb6: {  	_ =	sfence  }
0xb7: {  	s30 =	sld [smem:$0x0];
	_ =	sdelay $0x2  }
0xb8: {  	s31 =	sshll.u32 s1, $0xD;
	s1 =	sshrl.u32 s1, $0x2  }
0xb9: {  	s3 =	sand.u32 $0x4000, s31;
	s1 =	sadd.s32 s1, s30  }
0xba: {  	s0 =	sor.u32 s3, s0;
	s1 =	sshll.u32 s1, $0x11  }
0xbb: {  	s0 =	sor.u32 s1, s0  }
0xbc: {  	s0 =	sadd.s32 $0x8F2B, s0  }
0xbd: {  	[sflag:s0] =	ssyncadd.remote.s32 $0x1  }
0xbe: {  	_ =	sfence.sel $0xFFFF  }
0xbf: {  	[dreg:$0x0] =	wrdreg $0xFFFFFFFF;
	(pc) =	sbr.abs _section_cstart, $3  }
0xc0: {  	[dreg:$0x1] =	wrdreg $0xFFFFFFFF  }
0xc1: {  	_ =	task.clear_ibuf [dreg:s7], $0x2FFFF;
	_ =	strace $0x9FFFFFFF  }
0xc2: {  	(tm) =	ssettm $0x7FFFFFFF  }
0xc3: {  	_ =	shalt  }
tec
execute0_lowered:
.L_overlay_start_1:
0x0: {  	(tag) =	ssettag $0x1  }
0x1: {  	s1 =	srdreg.scid;
	s2 =	rddreg [dreg:$0x0]  }
0x2: {  	s0 =	stileid.u32;
	s5 =	rddreg [dreg:$0x1]  }
0x3: {  	s3 =	simm.s32 $0x0;
	s9 =	simm.s32 $0x2;
	s10 =	simm.s32 $0x80  }
0x4: {  	s11 =	simm.s32 $0x880;
	s12 =	simm.s32 $0x1080;
	s13 =	simm.s32 $0x1880  }
0x5: {  	s14 =	simm.s32 $0x2080;
	s15 =	simm.s32 $0x2880;
	s16 =	simm.s32 $0x3080  }
0x6: {  	s17 =	simm.s32 $0x3880;
	s18 =	simm.s32 $0x4080;
	s19 =	simm.s32 $0x4880  }
0x7: {  	s20 =	simm.s32 $0x5080;
	s21 =	simm.s32 $0x5880;
	s4 =	sand.u32 $0x1, s1  }
0x8: {  	s22 =	simm.s32 $0x1;
	s6 =	sshll.u32 s0, $0x3;
	s7 =	sshll.u32 s4, $0x2  }
0x9: {  	s1 =	rddreg [dreg:$0x2];
	s4 =	ssub.s32 $0x2, s4;
	s6 =	sor.u32 s7, s6  }
0xa: {  	[smem:$0x7FF] =	sst s3;
	s8 =	sshrl.u32 s4, $0x1;
	s7 =	smul.u32 $0x300, s6  }
0xb: {  	v2 =	vlaneseq.u32;
	_ =	strace $0x8000004A;
	s6 =	sadd.s32 s6, s5;
	s8 =	ssub.s32 s4, s8  }
0xc: {  	vm0 =	vmmov $0xffff;
	v1 =	vshrl.u32 v2, $0x3;
	s4 =	sadd.s32 $0x3200, s6;
	s6 =	sadd.s32 $0x200, s2;
	s7 =	sadd.s32 s7, s5  }
0xd: {  	v0 =	vand.u32 $0x7, v2;
	v2 =	vor.u32 $0x8, v2;
	v1 =	vmul.u32 $0x8, v1;
	s8 =	smax.u32 s8, $0x1;
	s5 =	sadd.s32 $0x100, s2;
	s7 =	sadd.s32 $0x3800, s7  }
.LBB2_1:
0xe: {  	[tilespmem:s3], [sflag:$0x2] =	stream.linear.gather [hbm4b:s4+s3], $0x20, $0x38;
	[tilespmem:$0x6080] =	vst v63  }
0xf: {  	_ =	swait.ge [sflag:s9], $0x20  }
0x10: {  	[sflag:s9] =	ssyncset.done $0x0  }
0x11: {  	[sflag:s9] =	ssyncadd.s32 $0xFFFFFFE0  }
0x12: {  	v3 =	vld [tilespmem:$0x0];
	_ =	sdelay $0x4  }
0x13: {  	v4 =	vshrl.u32 v3, $0x3  }
0x14: {  	v4 =	vmul.u32 $0x30, v4  }
0x15: {  	v3 =	vand.u32 $0x7, v3  }
0x16: {  	v3 =	vor.u32 v3, v4  }
0x17: {  	v4 =	vperm.xlane v3, v0;
	_ =	sdelay $0x1  }
0x18: {  	v4 =	vadd.s32 v1, v4;
	_ =	sdelay $0x3  }
0x19: {  	v3 =	vperm.xlane v3, v2  }
0x1a: {  	[tilespmem:s10], [sflag:$0x1] =	stream.indirect_vreg.gather [hbm4b:s2+s3], $0x80, v4, vm0, $0xb8;
	[tilespmem:$0x6080] =	vst v63  }
0x1b: {  	v3 =	vadd.s32 v1, v3  }
0x1c: {  	[tilespmem:s11], [sflag:$0x1] =	stream.indirect_vreg.gather [hbm4b:s5+s3], $0x80, v4, vm0, $0xb8;
	[tilespmem:$0x6080] =	vst v63  }
0x1d: {  	_ = 	snop  }
0x1e: {  	[tilespmem:s12], [sflag:$0x1] =	stream.indirect_vreg.gather [hbm4b:s6+s3], $0x80, v4, vm0, $0xb8;
	[tilespmem:$0x6080] =	vst v63  }
0x1f: {  	_ = 	snop  }
0x20: {  	[tilespmem:s13], [sflag:$0x1] =	stream.indirect_vreg.gather [hbm4b:s2+s3], $0x80, v3, vm0, $0xb8;
	[tilespmem:$0x6080] =	vst v63  }
0x21: {  	_ = 	snop  }
0x22: {  	[tilespmem:s14], [sflag:$0x1] =	stream.indirect_vreg.gather [hbm4b:s5+s3], $0x80, v3, vm0, $0xb8;
	[tilespmem:$0x6080] =	vst v63  }
0x23: {  	_ = 	snop  }
0x24: {  	[tilespmem:s15], [sflag:$0x1] =	stream.indirect_vreg.gather [hbm4b:s6+s3], $0x80, v3, vm0, $0xb8;
	[tilespmem:$0x6080] =	vst v63  }
0x25: {  	v3 =	vld [tilespmem:$0x10];
	_ =	sdelay $0x4  }
0x26: {  	v63 =	vshrl.u32 v3, $0x3  }
0x27: {  	v4 =	vmul.u32 $0x30, v63  }
0x28: {  	v3 =	vand.u32 $0x7, v3  }
0x29: {  	v3 =	vor.u32 v3, v4  }
0x2a: {  	v4 =	vperm.xlane v3, v0;
	_ =	sdelay $0x1  }
0x2b: {  	v4 =	vadd.s32 v1, v4;
	_ =	sdelay $0x3  }
0x2c: {  	v3 =	vperm.xlane v3, v2  }
0x2d: {  	[tilespmem:s16], [sflag:$0x1] =	stream.indirect_vreg.gather [hbm4b:s2+s3], $0x80, v4, vm0, $0xb8;
	[tilespmem:$0x6080] =	vst v63  }
0x2e: {  	v3 =	vadd.s32 v1, v3  }
0x2f: {  	[tilespmem:s17], [sflag:$0x1] =	stream.indirect_vreg.gather [hbm4b:s5+s3], $0x80, v4, vm0, $0xb8;
	[tilespmem:$0x6080] =	vst v63  }
0x30: {  	_ = 	snop  }
0x31: {  	[tilespmem:s18], [sflag:$0x1] =	stream.indirect_vreg.gather [hbm4b:s6+s3], $0x80, v4, vm0, $0xb8;
	[tilespmem:$0x6080] =	vst v63  }
0x32: {  	_ = 	snop  }
0x33: {  	[tilespmem:s19], [sflag:$0x1] =	stream.indirect_vreg.gather [hbm4b:s2+s3], $0x80, v3, vm0, $0xb8;
	[tilespmem:$0x6080] =	vst v63  }
0x34: {  	_ = 	snop  }
0x35: {  	[tilespmem:s20], [sflag:$0x1] =	stream.indirect_vreg.gather [hbm4b:s5+s3], $0x80, v3, vm0, $0xb8;
	[tilespmem:$0x6080] =	vst v63  }
0x36: {  	_ = 	snop  }
0x37: {  	[tilespmem:s21], [sflag:$0x1] =	stream.indirect_vreg.gather [hbm4b:s6+s3], $0x80, v3, vm0, $0xb8;
	[tilespmem:$0x6080] =	vst v63  }
0x38: {  	_ =	swait.ge [sflag:s22], $0x6000  }
0x39: {  	p0 =	sne.s32 s8, $0x1;
	[sflag:s22] =	ssyncset.done $0x0  }
.Ltmp0:
0x3a: {  	[sflag:s22] =	ssyncadd.s32 $0xFFFFA000;
	(pc) =	sbr.rel @p0 .LBB2_1-.Ltmp0, $4  }
0x3b: {  	[hbm4b:s7+s3] =	stream.linear.scatter [tilespmem:s10], [sflag:$0x2], $0x6000, $0x38;
	[tilespmem:$0x6080] =	vst v63  }
0x3c: {  	_ =	swait.ge [sflag:s9], $0x6000  }
0x3d: {  	[sflag:s9] =	ssyncset.done $0x0  }
0x3e: {  	s8 =	sadd.s32 $0xFFFFFFFF, s8;
	[sflag:s9] =	ssyncadd.s32 $0xFFFFA000  }
0x3f: {  	_ =	sfence.sel $0x180000  }
0x40: {  	[bflag:$0x0] =	sbarrier.arrive $0xFFFF  }
0x41: {  	p0 =	sne.s32 s0, $0x0;
	_ =	strace $0x9000004A  }
0x42: {  	s0 =	sadd.s32 @!p0 $0x100000, s1;
	[bflag:$0x2] =	sbarrier.arrive $0xFFFF  }
0x43: {  	[sflag:s0] =	ssyncadd.tile.s32 @!p0 $0x1;
	_ =	shalt  }
.Lfunc_end2:
_tile_overlayer_lowered:
.L_overlay_start_2:
0x44: {  	(tag) =	ssettag $0x2  }
0x45: {  	s0 =	rddreg [dreg:$0x0];
	s2 =	stileid.u32  }
0x46: {  	s1 =	rddreg [dreg:$0x1];
	p0 =	sne.s32 s2, $0x0  }
0x47: {  	s3 =	rddreg [dreg:$0x2];
	[bflag:$0x3] =	sbarrier.arrive $0xFFFF;
	s2 =	simm.s32 @!p0 $0x1C02  }
0x48: {  	[timem:s3], [sflag:s2] =	dma.local @!p0 [hbm:s0], s1  }
0x49: {  	s0 =	simm.s32 @!p0 $0x2  }
0x4a: {  	_ =	swait.ge @!p0 [sflag:s0], s1  }
0x4b: {  	s1 =	ssub.s32 @!p0 $0x0, s1;
	[sflag:s0] =	ssyncset.done @!p0 $0x0  }
0x4c: {  	[sflag:s0] =	ssyncadd.s32 @!p0 s1  }
0x4d: {  	[bflag:$0x3] =	sbarrier.arrive $0xFFFF  }
0x4e: {  	_ =	shalt  }

// kernel: kernel.14.cloned.1.call-start
scs
__scs_entry_jumppad:
0x0: {  	(pc) =	sbr.rel $0x88, $3  }
0x1: {  	(tag) =	ssettag $0x0;
	lr =	simm.s32 $0x1  }
0x2: {  	[smem:$0x3F9D] =	sst lr;
	_ =	strace $0xD0000000  }
0x3: {  	_ = 	snop  }
0x4: {  	_ = 	snop  }
0x5: {  	_ = 	snop  }
0x6: {  	_ = 	snop  }
0x7: {  	_ = 	snop  }
__scs_overlays_trampoline_lowered:
0x8: {  	[smem:$0x3FAC] =	sst s0  }
0x9: {  	[smem:$0x3FAD] =	sst s1  }
0xa: {  	[smem:$0x3FAE] =	sst s2  }
0xb: {  	[smem:$0x3FAF] =	sst s3  }
0xc: {  	[smem:$0x3FB0] =	sst s4  }
0xd: {  	[smem:$0x3FB1] =	sst s5  }
0xe: {  	[smem:$0x3FB2] =	sst s6  }
0xf: {  	[smem:$0x3FB3] =	sst s7  }
0x10: {  	[smem:$0x3FB4] =	sst s8  }
0x11: {  	[smem:$0x3FB5] =	sst s9;
	s0 =	simm.s32 @!p0 $0x0  }
0x12: {  	s1 =	sld [smem:$0x3F9B];
	s0 =	simm.s32 @p0 $0x1  }
0x13: {  	[smem:$0x3FB6] =	sst s0;
	s0 =	simm.s32 @!p1 $0x0  }
0x14: {  	s2 =	sld [smem:$0x3F9A];
	s0 =	simm.s32 @p1 $0x1  }
0x15: {  	[smem:$0x3FB7] =	sst s0;
	s0 =	simm.s32 @!p2 $0x0  }
0x16: {  	s3 =	sld [smem:$0x3FDB];
	s0 =	simm.s32 @p2 $0x1  }
0x17: {  	s4 =	simm.s32 $0x1BF5;
	[smem:$0x3FB9] =	sst s0  }
0x18: {  	s0 =	sld [smem:$0x3F9C];
	_ =	swait.ge [sflag:s4], $0x0  }
0x19: {  	s7 =	sld [smem:$0x3F9D]  }
0x1a: {  	s8 =	sadd.s32 $0xFFFFE003, lr  }
0x1b: {  	s9 =	sadd.s32 $0xFFFFFEF7, lr;
	s5 =	simm.s32 $0xFFFFFFFF;
	p2 =	slt.u32 s8, $0xFFFFF086  }
0x1c: {  	p1 =	slt.u32 s9, $0xF7A;
	s5 =	simm.s32 @!p2 $0x0  }
0x1d: {  	s5 =	simm.s32 @p1 $0x1;
	p0 =	seq.s32 s7, s2  }
0x1e: {  	s7 =	smul.u32 @!p0 $0xF7A, s2;
	p2 =	seq.s32 @!p0 s5, $0x0  }
0x1f: {  	s9 =	smul.u32 $0xF7A, s1;
	s8 =	simm.s32 @!p0 $0x1BF5;
	p2 =	por !p2, p0  }
0x20: {  	[sflag:s8] =	ssyncset.s32 @!p0 $0xFFFFF086;
	s6 =	sadd.s32 @!p0 s3, s7;
	s7 =	simm.s32 @!p0 $0x108  }
0x21: {  	s3 =	sadd.s32 s3, s9;
	s6 =	sadd.s32 @!p0 $0x88, s6;
	s7 =	simm.s32 @p2 $0x1082  }
0x22: {  	[simem:s7], [sflag:s8] =	dma.local @!p0 [hbm:s6], $0xF7A  }
0x23: {  	s9 =	sor.u32 $0xD0000000, s2;
	s6 =	simm.s32 $0x108;
	_ =	swait.ge @!p0 [sflag:s8], $0x0  }
0x24: {  	s3 =	sadd.s32 $0x88, s3;
	s6 =	simm.s32 @!p1 $0x1082;
	[sflag:s4] =	ssyncset.s32 $0xFFFFF086  }
0x25: {  	[simem:s6], [sflag:s4] =	dma.local [hbm:s3], $0xF7A  }
0x26: {  	[smem:$0x3F9D] =	sst s1;
	(tag) =	ssettag s2;
	_ =	strace s9  }
0x27: {  	s1 =	sld [smem:$0x3FAD]  }
0x28: {  	s2 =	sld [smem:$0x3FAE]  }
0x29: {  	s4 =	sld [smem:$0x3FB0]  }
0x2a: {  	p0 =	seq.s32 s5, $0x0;
	s5 =	sld [smem:$0x3FB1]  }
0x2b: {  	s6 =	sld [smem:$0x3FB2]  }
0x2c: {  	s7 =	sld [smem:$0x3FB3]  }
0x2d: {  	s3 =	simm.s32 $0x108;
	s8 =	sld [smem:$0x3FB4]  }
0x2e: {  	s3 =	simm.s32 @!p0 $0x1082;
	s9 =	sld [smem:$0x3FB5]  }
0x2f: {  	lr =	sadd.s32 s0, s3;
	s0 =	sld [smem:$0x3FAC]  }
0x30: {  	s3 =	sld [smem:$0x3FAF]  }
0x31: {  	[smem:$0x3FB8] =	sst s10  }
0x32: {  	s10 =	sld [smem:$0x3FB6];
	_ =	sdelay $0x3  }
0x33: {  	p0 =	seq.s32 s10, $0x1;
	s10 =	sld [smem:$0x3FB8];
	_ =	sdelay $0x3  }
0x34: {  	[smem:$0x3FB8] =	sst s10  }
0x35: {  	s10 =	sld [smem:$0x3FB7];
	_ =	sdelay $0x3  }
0x36: {  	p1 =	seq.s32 s10, $0x1;
	s10 =	sld [smem:$0x3FB8];
	_ =	sdelay $0x3  }
0x37: {  	[smem:$0x3FB8] =	sst s10  }
0x38: {  	s10 =	sld [smem:$0x3FB9]  }
0x39: {  	_ = 	snop;
	(pc) =	sbr.ind lr, $3  }
0x3a: {  	_ = 	snop  }
0x3b: {  	_ = 	snop  }
0x3c: {  	p2 =	seq.s32 s10, $0x1;
	s10 =	sld [smem:$0x3FB8]  }
0x3d: {  	_ =	shalt  }
0x3e: {  	_ =	shalt  }
0x3f: {  	_ =	shalt  }
0x40: {  	_ =	shalt  }
0x41: {  	_ =	shalt  }
0x42: {  	_ =	shalt  }
0x43: {  	_ =	shalt  }
0x44: {  	_ =	shalt  }
0x45: {  	_ =	shalt  }
0x46: {  	_ =	shalt  }
0x47: {  	_ =	shalt  }
0x48: {  	_ =	shalt  }
0x49: {  	_ =	shalt  }
0x4a: {  	_ =	shalt  }
0x4b: {  	_ =	shalt  }
0x4c: {  	_ =	shalt  }
0x4d: {  	_ =	shalt  }
0x4e: {  	_ =	shalt  }
0x4f: {  	_ =	shalt  }
0x50: {  	_ =	shalt  }
0x51: {  	_ =	shalt  }
0x52: {  	_ =	shalt  }
0x53: {  	_ =	shalt  }
0x54: {  	_ =	shalt  }
0x55: {  	_ =	shalt  }
0x56: {  	_ =	shalt  }
0x57: {  	_ =	shalt  }
0x58: {  	_ =	shalt  }
0x59: {  	_ =	shalt  }
0x5a: {  	_ =	shalt  }
0x5b: {  	_ =	shalt  }
0x5c: {  	_ =	shalt  }
0x5d: {  	_ =	shalt  }
0x5e: {  	_ =	shalt  }
0x5f: {  	_ =	shalt  }
0x60: {  	_ =	shalt  }
0x61: {  	_ =	shalt  }
0x62: {  	_ =	shalt  }
0x63: {  	_ =	shalt  }
0x64: {  	_ =	shalt  }
0x65: {  	_ =	shalt  }
0x66: {  	_ =	shalt  }
0x67: {  	_ =	shalt  }
0x68: {  	_ =	shalt  }
0x69: {  	_ =	shalt  }
0x6a: {  	_ =	shalt  }
0x6b: {  	_ =	shalt  }
0x6c: {  	_ =	shalt  }
0x6d: {  	_ =	shalt  }
0x6e: {  	_ =	shalt  }
0x6f: {  	_ =	shalt  }
0x70: {  	_ =	shalt  }
0x71: {  	_ =	shalt  }
0x72: {  	_ =	shalt  }
0x73: {  	_ =	shalt  }
0x74: {  	_ =	shalt  }
0x75: {  	_ =	shalt  }
0x76: {  	_ =	shalt  }
0x77: {  	_ =	shalt  }
0x78: {  	_ =	shalt  }
0x79: {  	_ =	shalt  }
0x7a: {  	_ =	shalt  }
0x7b: {  	_ =	shalt  }
0x7c: {  	_ =	shalt  }
0x7d: {  	_ =	shalt  }
0x7e: {  	_ =	shalt  }
0x7f: {  	_ =	shalt  }
0x80: {  	_ =	shalt  }
0x81: {  	_ =	shalt  }
0x82: {  	_ =	shalt  }
0x83: {  	_ =	shalt  }
0x84: {  	_ =	shalt  }
0x85: {  	_ =	shalt  }
0x86: {  	_ =	shalt  }
0x87: {  	_ =	shalt  }
.Lfunc_end0:
.L_simem_size_0:
called_computation.2_lowered:
.L_overlay_start_0:
0x88: {  	s2 =	sld [smem:$0x3FD9]  }
0x89: {  	s3 =	sld [smem:$0x3FFE];
	_ =	sdelay $0x1  }
0x8a: {  	s1 =	srdreg.scid  }
0x8b: {  	s0 =	sand.u32 $0x1, s1  }
0x8c: {  	s17 =	sshll.u32 s0, $0xA;
	s2 =	sadd.s32 s3, s2  }
0x8d: {  	s2 =	sadd.s32 s2, s17  }
0x8e: {  	[smem:$0x3FC4] =	sst s2  }
0x8f: {  	_ = 	snop  }
0x90: {  	s2 =	sld [smem:$0x3FD0];
	(tm) =	ssettm $0x1  }
0x91: {  	s18 =	sld [smem:$0x3FFB];
	_ =	sdelay $0x3  }
0x92: {  	_ =	strace s18  }
0x93: {  	s3 =	sld [smem:$0x3FFC];
	_ =	sdelay $0x3  }
0x94: {  	_ =	strace s3  }
0x95: {  	s3 =	sld [smem:$0x3FFD];
	_ =	sdelay $0x3  }
0x96: {  	_ =	strace s3  }
0x97: {  	_ =	strace $0x8FFFFFFF  }
0x98: {  	s19 =	sld [smem:$0x3FDB];
	_ =	sdelay $0x1  }
0x99: {  	s4 =	simm.s32 $_scs_section_size  }
0x9a: {  	s5 =	simm.s32 $_size__tile_overlayer_lowered;
	s6 =	simm.s32 $_tile_overlayer_lowered  }
0x9b: {  	s22 =	simm.s32 $0x1BFF;
	s21 =	sshll.u32 s6, $0x1;
	s3 =	sadd.s32 s4, s19  }
0x9c: {  	s7 =	simm.s32 $0x0;
	s20 =	sshll.u32 s5, $0x1;
	s5 =	sadd.s32 s21, s3  }
0x9d: {  	[timem:s7], [sflag:s22] =	dma.local [hbm:s5], s20  }
0x9e: {  	_ =	swait.ge [sflag:s22], s20  }
0x9f: {  	s4 =	ssub.s32 $0x0, s20;
	[sflag:s22] =	ssyncset.done $0x0  }
0xa0: {  	[sflag:s22] =	ssyncadd.s32 s4;
	_ =	sdelay $0x1  }
0xa1: {  	s23 =	simm.s32 $0x1B8B  }
0xa2: {  	_ =	swait.ge [sflag:s23], $0x1  }
0xa3: {  	[sflag:s23] =	ssyncset.done $0x0  }
0xa4: {  	s25 =	simm.s32 $0x1B8E;
	s24 =	sld [smem:$0x3FFE];
	[sflag:s23] =	ssyncadd.s32 $0xFFFFFFFF  }
0xa5: {  	s26 =	simm.s32 $execute0_lowered;
	[smem:$0x3FD2] =	sst s25  }
0xa6: {  	s5 =	sshll.u32 s26, $0x1;
	_ =	strace $0x8000004C;
	[dreg:$0x1] =	wrdreg $0xFFFFFFFF  }
0xa7: {  	s28 =	simm.s32 $_size_execute0_lowered;
	s3 =	sadd.s32 s3, s5;
	[dreg:$0x0] =	wrdreg $0x0  }
0xa8: {  	s5 =	sshll.u32 s28, $0x1;
	[dreg:$0x2] =	wrdreg s3  }
0xa9: {  	[dreg:$0x3] =	wrdreg s5  }
0xaa: {  	[dreg:$0x4] =	wrdreg $0xC0  }
0xab: {  	_ =	task [dreg:s7], $0x5FFFF  }
0xac: {  	[dreg:$0x1] =	wrdreg $0xFFFFFFFF  }
0xad: {  	[dreg:$0x0] =	wrdreg $0x60  }
0xae: {  	[dreg:$0x2] =	wrdreg s24  }
0xaf: {  	[dreg:$0x3] =	wrdreg s2  }
0xb0: {  	[dreg:$0x4] =	wrdreg $0x9  }
0xb1: {  	_ =	task.clear_ibuf [dreg:s7], $0x5FFFF;
	_ =	strace $0x9000004C  }
0xb2: {  	s29 =	simm.s32 $0x9;
	_ =	strace $0x8000004E  }
0xb3: {  	_ =	swait.ge [sflag:s29], $0x1  }
0xb4: {  	[sflag:s29] =	ssyncadd.s32 $0xFFFFFFFF  }
0xb5: {  	_ =	strace $0x9000004E  }
0xb6: {  	_ =	sfence  }
0xb7: {  	s30 =	sld [smem:$0x0];
	_ =	sdelay $0x2  }
0xb8: {  	s31 =	sshll.u32 s1, $0xD;
	s1 =	sshrl.u32 s1, $0x2  }
0xb9: {  	s3 =	sand.u32 $0x4000, s31;
	s1 =	sadd.s32 s1, s30  }
0xba: {  	s0 =	sor.u32 s3, s0;
	s1 =	sshll.u32 s1, $0x11  }
0xbb: {  	s0 =	sor.u32 s1, s0  }
0xbc: {  	s0 =	sadd.s32 $0x8F2B, s0  }
0xbd: {  	[sflag:s0] =	ssyncadd.remote.s32 $0x1  }
0xbe: {  	_ =	sfence.sel $0xFFFF  }
0xbf: {  	[dreg:$0x0] =	wrdreg $0xFFFFFFFF;
	(pc) =	sbr.abs _section_cstart, $3  }
0xc0: {  	[dreg:$0x1] =	wrdreg $0xFFFFFFFF  }
0xc1: {  	_ =	task.clear_ibuf [dreg:s7], $0x2FFFF;
	_ =	strace $0x9FFFFFFF  }
0xc2: {  	(tm) =	ssettm $0x7FFFFFFF  }
0xc3: {  	_ =	shalt  }
tec
execute0_lowered:
.L_overlay_start_1:
0x0: {  	(tag) =	ssettag $0x1  }
0x1: {  	s1 =	srdreg.scid;
	s4 =	rddreg [dreg:$0x0]  }
0x2: {  	s0 =	stileid.u32;
	s2 =	rddreg [dreg:$0x1]  }
0x3: {  	s3 =	simm.s32 $0x0;
	s9 =	simm.s32 $0x2;
	s10 =	simm.s32 $0x80  }
0x4: {  	s11 =	simm.s32 $0x880;
	s12 =	simm.s32 $0x1080;
	s13 =	simm.s32 $0x1880  }
0x5: {  	s14 =	simm.s32 $0x2080;
	s15 =	simm.s32 $0x2880;
	s16 =	simm.s32 $0x3080  }
0x6: {  	s17 =	simm.s32 $0x3880;
	s18 =	simm.s32 $0x4080;
	s19 =	simm.s32 $0x4880  }
0x7: {  	s20 =	simm.s32 $0x5080;
	s21 =	simm.s32 $0x5880;
	s5 =	sand.u32 $0x1, s1  }
0x8: {  	s22 =	simm.s32 $0x1;
	s6 =	sshll.u32 s0, $0x3;
	s7 =	sshll.u32 s5, $0x2  }
0x9: {  	s1 =	rddreg [dreg:$0x2];
	s5 =	ssub.s32 $0x2, s5;
	s6 =	sor.u32 s7, s6  }
0xa: {  	[smem:$0x7FF] =	sst s3;
	s8 =	sshrl.u32 s5, $0x1;
	s7 =	smul.u32 $0x300, s6  }
0xb: {  	v2 =	vlaneseq.u32;
	_ =	strace $0x8000004D;
	s6 =	sadd.s32 s6, s4;
	s8 =	ssub.s32 s5, s8  }
0xc: {  	vm0 =	vmmov $0xffff;
	v1 =	vshrl.u32 v2, $0x3;
	s8 =	smax.u32 s8, $0x1;
	s7 =	sadd.s32 s7, s4;
	s4 =	sadd.s32 $0x3200, s6  }
0xd: {  	v0 =	vand.u32 $0x7, v2;
	v2 =	vor.u32 $0x8, v2;
	v1 =	vmul.u32 $0x8, v1;
	s6 =	sadd.s32 $0x100, s2;
	s5 =	sadd.s32 $0x3800, s7;
	s7 =	sadd.s32 $0x200, s2  }
.LBB2_1:
0xe: {  	[tilespmem:s3], [sflag:$0x2] =	stream.linear.gather [hbm4b:s4+s3], $0x20, $0x38;
	[tilespmem:$0x6080] =	vst v63  }
0xf: {  	_ =	swait.ge [sflag:s9], $0x20  }
0x10: {  	[sflag:s9] =	ssyncset.done $0x0  }
0x11: {  	[sflag:s9] =	ssyncadd.s32 $0xFFFFFFE0  }
0x12: {  	[tilespmem:s10], [sflag:$0x2] =	stream.linear.gather [hbm4b:s5+s3], $0x6000, $0x38;
	[tilespmem:$0x6080] =	vst v63  }
0x13: {  	_ =	swait.ge [sflag:s9], $0x6000  }
0x14: {  	[sflag:s9] =	ssyncset.done $0x0  }
0x15: {  	[sflag:s9] =	ssyncadd.s32 $0xFFFFA000  }
0x16: {  	v3 =	vld [tilespmem:$0x0];
	_ =	sdelay $0x4  }
0x17: {  	v4 =	vshrl.u32 v3, $0x3  }
0x18: {  	v4 =	vmul.u32 $0x30, v4  }
0x19: {  	v3 =	vand.u32 $0x7, v3  }
0x1a: {  	v3 =	vor.u32 v3, v4  }
0x1b: {  	v4 =	vperm.xlane v3, v0;
	_ =	sdelay $0x1  }
0x1c: {  	v4 =	vadd.s32 v1, v4;
	_ =	sdelay $0x3  }
0x1d: {  	v3 =	vperm.xlane v3, v2  }
0x1e: {  	[hbm4b:s2+s3] =	stream.indirect_vreg.scatter [tilespmem:s10], [sflag:$0x1], $0x80, v4, vm0, $0xb8;
	[tilespmem:$0x6080] =	vst v63  }
0x1f: {  	v3 =	vadd.s32 v1, v3  }
0x20: {  	[hbm4b:s6+s3] =	stream.indirect_vreg.scatter [tilespmem:s11], [sflag:$0x1], $0x80, v4, vm0, $0xb8;
	[tilespmem:$0x6080] =	vst v63  }
0x21: {  	_ = 	snop  }
0x22: {  	[hbm4b:s7+s3] =	stream.indirect_vreg.scatter [tilespmem:s12], [sflag:$0x1], $0x80, v4, vm0, $0xb8;
	[tilespmem:$0x6080] =	vst v63  }
0x23: {  	_ = 	snop  }
0x24: {  	[hbm4b:s2+s3] =	stream.indirect_vreg.scatter [tilespmem:s13], [sflag:$0x1], $0x80, v3, vm0, $0xb8;
	[tilespmem:$0x6080] =	vst v63  }
0x25: {  	_ = 	snop  }
0x26: {  	[hbm4b:s6+s3] =	stream.indirect_vreg.scatter [tilespmem:s14], [sflag:$0x1], $0x80, v3, vm0, $0xb8;
	[tilespmem:$0x6080] =	vst v63  }
0x27: {  	_ = 	snop  }
0x28: {  	[hbm4b:s7+s3] =	stream.indirect_vreg.scatter [tilespmem:s15], [sflag:$0x1], $0x80, v3, vm0, $0xb8;
	[tilespmem:$0x6080] =	vst v63  }
0x29: {  	v3 =	vld [tilespmem:$0x10];
	_ =	sdelay $0x4  }
0x2a: {  	v63 =	vshrl.u32 v3, $0x3  }
0x2b: {  	v4 =	vmul.u32 $0x30, v63  }
0x2c: {  	v3 =	vand.u32 $0x7, v3  }
0x2d: {  	v3 =	vor.u32 v3, v4  }
0x2e: {  	v4 =	vperm.xlane v3, v0;
	_ =	sdelay $0x1  }
0x2f: {  	v4 =	vadd.s32 v1, v4;
	_ =	sdelay $0x3  }
0x30: {  	v3 =	vperm.xlane v3, v2  }
0x31: {  	[hbm4b:s2+s3] =	stream.indirect_vreg.scatter [tilespmem:s16], [sflag:$0x1], $0x80, v4, vm0, $0xb8;
	[tilespmem:$0x6080] =	vst v63  }
0x32: {  	v3 =	vadd.s32 v1, v3  }
0x33: {  	[hbm4b:s6+s3] =	stream.indirect_vreg.scatter [tilespmem:s17], [sflag:$0x1], $0x80, v4, vm0, $0xb8;
	[tilespmem:$0x6080] =	vst v63  }
0x34: {  	_ = 	snop  }
0x35: {  	[hbm4b:s7+s3] =	stream.indirect_vreg.scatter [tilespmem:s18], [sflag:$0x1], $0x80, v4, vm0, $0xb8;
	[tilespmem:$0x6080] =	vst v63  }
0x36: {  	_ = 	snop  }
0x37: {  	[hbm4b:s2+s3] =	stream.indirect_vreg.scatter [tilespmem:s19], [sflag:$0x1], $0x80, v3, vm0, $0xb8;
	[tilespmem:$0x6080] =	vst v63  }
0x38: {  	p0 =	sne.s32 s8, $0x1  }
0x39: {  	[hbm4b:s6+s3] =	stream.indirect_vreg.scatter [tilespmem:s20], [sflag:$0x1], $0x80, v3, vm0, $0xb8;
	[tilespmem:$0x6080] =	vst v63  }
.Ltmp0:
0x3a: {  	_ = 	snop;
	(pc) =	sbr.rel @p0 .LBB2_1-.Ltmp0, $4  }
0x3b: {  	[hbm4b:s7+s3] =	stream.indirect_vreg.scatter [tilespmem:s21], [sflag:$0x1], $0x80, v3, vm0, $0xb8;
	[tilespmem:$0x6080] =	vst v63  }
0x3c: {  	_ =	swait.ge [sflag:s22], $0x6000  }
0x3d: {  	[sflag:s22] =	ssyncset.done $0x0  }
0x3e: {  	s8 =	sadd.s32 $0xFFFFFFFF, s8;
	[sflag:s22] =	ssyncadd.s32 $0xFFFFA000  }
0x3f: {  	_ =	sfence.sel $0x180000  }
0x40: {  	[bflag:$0x0] =	sbarrier.arrive $0xFFFF  }
0x41: {  	p0 =	sne.s32 s0, $0x0;
	_ =	strace $0x9000004D  }
0x42: {  	s0 =	sadd.s32 @!p0 $0x100000, s1;
	[bflag:$0x2] =	sbarrier.arrive $0xFFFF  }
0x43: {  	[sflag:s0] =	ssyncadd.tile.s32 @!p0 $0x1;
	_ =	shalt  }
.Lfunc_end2:
_tile_overlayer_lowered:
.L_overlay_start_2:
0x44: {  	(tag) =	ssettag $0x2  }
0x45: {  	s0 =	rddreg [dreg:$0x0];
	s2 =	stileid.u32  }
0x46: {  	s1 =	rddreg [dreg:$0x1];
	p0 =	sne.s32 s2, $0x0  }
0x47: {  	s3 =	rddreg [dreg:$0x2];
	[bflag:$0x3] =	sbarrier.arrive $0xFFFF;
	s2 =	simm.s32 @!p0 $0x1C02  }
0x48: {  	[timem:s3], [sflag:s2] =	dma.local @!p0 [hbm:s0], s1  }
0x49: {  	s0 =	simm.s32 @!p0 $0x2  }
0x4a: {  	_ =	swait.ge @!p0 [sflag:s0], s1  }
0x4b: {  	s1 =	ssub.s32 @!p0 $0x0, s1;
	[sflag:s0] =	ssyncset.done @!p0 $0x0  }
0x4c: {  	[sflag:s0] =	ssyncadd.s32 @!p0 s1  }
0x4d: {  	[bflag:$0x3] =	sbarrier.arrive $0xFFFF  }
0x4e: {  	_ =	shalt  }

// kernel: kernel.8.cloned.1.call-start
scs
__scs_entry_jumppad:
0x0: {  	(pc) =	sbr.rel $0x88, $3  }
0x1: {  	(tag) =	ssettag $0x0;
	lr =	simm.s32 $0x1  }
0x2: {  	[smem:$0x3F9D] =	sst lr;
	_ =	strace $0xD0000000  }
0x3: {  	_ = 	snop  }
0x4: {  	_ = 	snop  }
0x5: {  	_ = 	snop  }
0x6: {  	_ = 	snop  }
0x7: {  	_ = 	snop  }
__scs_overlays_trampoline_lowered:
0x8: {  	[smem:$0x3FAC] =	sst s0  }
0x9: {  	[smem:$0x3FAD] =	sst s1  }
0xa: {  	[smem:$0x3FAE] =	sst s2  }
0xb: {  	[smem:$0x3FAF] =	sst s3  }
0xc: {  	[smem:$0x3FB0] =	sst s4  }
0xd: {  	[smem:$0x3FB1] =	sst s5  }
0xe: {  	[smem:$0x3FB2] =	sst s6  }
0xf: {  	[smem:$0x3FB3] =	sst s7  }
0x10: {  	[smem:$0x3FB4] =	sst s8  }
0x11: {  	[smem:$0x3FB5] =	sst s9;
	s0 =	simm.s32 @!p0 $0x0  }
0x12: {  	s1 =	sld [smem:$0x3F9B];
	s0 =	simm.s32 @p0 $0x1  }
0x13: {  	[smem:$0x3FB6] =	sst s0;
	s0 =	simm.s32 @!p1 $0x0  }
0x14: {  	s2 =	sld [smem:$0x3F9A];
	s0 =	simm.s32 @p1 $0x1  }
0x15: {  	[smem:$0x3FB7] =	sst s0;
	s0 =	simm.s32 @!p2 $0x0  }
0x16: {  	s3 =	sld [smem:$0x3FDB];
	s0 =	simm.s32 @p2 $0x1  }
0x17: {  	s4 =	simm.s32 $0x1BF5;
	[smem:$0x3FB9] =	sst s0  }
0x18: {  	s0 =	sld [smem:$0x3F9C];
	_ =	swait.ge [sflag:s4], $0x0  }
0x19: {  	s7 =	sld [smem:$0x3F9D]  }
0x1a: {  	s8 =	sadd.s32 $0xFFFFE003, lr  }
0x1b: {  	s9 =	sadd.s32 $0xFFFFFEF7, lr;
	s5 =	simm.s32 $0xFFFFFFFF;
	p2 =	slt.u32 s8, $0xFFFFF086  }
0x1c: {  	p1 =	slt.u32 s9, $0xF7A;
	s5 =	simm.s32 @!p2 $0x0  }
0x1d: {  	s5 =	simm.s32 @p1 $0x1;
	p0 =	seq.s32 s7, s2  }
0x1e: {  	s7 =	smul.u32 @!p0 $0xF7A, s2;
	p2 =	seq.s32 @!p0 s5, $0x0  }
0x1f: {  	s9 =	smul.u32 $0xF7A, s1;
	s8 =	simm.s32 @!p0 $0x1BF5;
	p2 =	por !p2, p0  }
0x20: {  	[sflag:s8] =	ssyncset.s32 @!p0 $0xFFFFF086;
	s6 =	sadd.s32 @!p0 s3, s7;
	s7 =	simm.s32 @!p0 $0x108  }
0x21: {  	s3 =	sadd.s32 s3, s9;
	s6 =	sadd.s32 @!p0 $0x88, s6;
	s7 =	simm.s32 @p2 $0x1082  }
0x22: {  	[simem:s7], [sflag:s8] =	dma.local @!p0 [hbm:s6], $0xF7A  }
0x23: {  	s9 =	sor.u32 $0xD0000000, s2;
	s6 =	simm.s32 $0x108;
	_ =	swait.ge @!p0 [sflag:s8], $0x0  }
0x24: {  	s3 =	sadd.s32 $0x88, s3;
	s6 =	simm.s32 @!p1 $0x1082;
	[sflag:s4] =	ssyncset.s32 $0xFFFFF086  }
0x25: {  	[simem:s6], [sflag:s4] =	dma.local [hbm:s3], $0xF7A  }
0x26: {  	[smem:$0x3F9D] =	sst s1;
	(tag) =	ssettag s2;
	_ =	strace s9  }
0x27: {  	s1 =	sld [smem:$0x3FAD]  }
0x28: {  	s2 =	sld [smem:$0x3FAE]  }
0x29: {  	s4 =	sld [smem:$0x3FB0]  }
0x2a: {  	p0 =	seq.s32 s5, $0x0;
	s5 =	sld [smem:$0x3FB1]  }
0x2b: {  	s6 =	sld [smem:$0x3FB2]  }
0x2c: {  	s7 =	sld [smem:$0x3FB3]  }
0x2d: {  	s3 =	simm.s32 $0x108;
	s8 =	sld [smem:$0x3FB4]  }
0x2e: {  	s3 =	simm.s32 @!p0 $0x1082;
	s9 =	sld [smem:$0x3FB5]  }
0x2f: {  	lr =	sadd.s32 s0, s3;
	s0 =	sld [smem:$0x3FAC]  }
0x30: {  	s3 =	sld [smem:$0x3FAF]  }
0x31: {  	[smem:$0x3FB8] =	sst s10  }
0x32: {  	s10 =	sld [smem:$0x3FB6];
	_ =	sdelay $0x3  }
0x33: {  	p0 =	seq.s32 s10, $0x1;
	s10 =	sld [smem:$0x3FB8];
	_ =	sdelay $0x3  }
0x34: {  	[smem:$0x3FB8] =	sst s10  }
0x35: {  	s10 =	sld [smem:$0x3FB7];
	_ =	sdelay $0x3  }
0x36: {  	p1 =	seq.s32 s10, $0x1;
	s10 =	sld [smem:$0x3FB8];
	_ =	sdelay $0x3  }
0x37: {  	[smem:$0x3FB8] =	sst s10  }
0x38: {  	s10 =	sld [smem:$0x3FB9]  }
0x39: {  	_ = 	snop;
	(pc) =	sbr.ind lr, $3  }
0x3a: {  	_ = 	snop  }
0x3b: {  	_ = 	snop  }
0x3c: {  	p2 =	seq.s32 s10, $0x1;
	s10 =	sld [smem:$0x3FB8]  }
0x3d: {  	_ =	shalt  }
0x3e: {  	_ =	shalt  }
0x3f: {  	_ =	shalt  }
0x40: {  	_ =	shalt  }
0x41: {  	_ =	shalt  }
0x42: {  	_ =	shalt  }
0x43: {  	_ =	shalt  }
0x44: {  	_ =	shalt  }
0x45: {  	_ =	shalt  }
0x46: {  	_ =	shalt  }
0x47: {  	_ =	shalt  }
0x48: {  	_ =	shalt  }
0x49: {  	_ =	shalt  }
0x4a: {  	_ =	shalt  }
0x4b: {  	_ =	shalt  }
0x4c: {  	_ =	shalt  }
0x4d: {  	_ =	shalt  }
0x4e: {  	_ =	shalt  }
0x4f: {  	_ =	shalt  }
0x50: {  	_ =	shalt  }
0x51: {  	_ =	shalt  }
0x52: {  	_ =	shalt  }
0x53: {  	_ =	shalt  }
0x54: {  	_ =	shalt  }
0x55: {  	_ =	shalt  }
0x56: {  	_ =	shalt  }
0x57: {  	_ =	shalt  }
0x58: {  	_ =	shalt  }
0x59: {  	_ =	shalt  }
0x5a: {  	_ =	shalt  }
0x5b: {  	_ =	shalt  }
0x5c: {  	_ =	shalt  }
0x5d: {  	_ =	shalt  }
0x5e: {  	_ =	shalt  }
0x5f: {  	_ =	shalt  }
0x60: {  	_ =	shalt  }
0x61: {  	_ =	shalt  }
0x62: {  	_ =	shalt  }
0x63: {  	_ =	shalt  }
0x64: {  	_ =	shalt  }
0x65: {  	_ =	shalt  }
0x66: {  	_ =	shalt  }
0x67: {  	_ =	shalt  }
0x68: {  	_ =	shalt  }
0x69: {  	_ =	shalt  }
0x6a: {  	_ =	shalt  }
0x6b: {  	_ =	shalt  }
0x6c: {  	_ =	shalt  }
0x6d: {  	_ =	shalt  }
0x6e: {  	_ =	shalt  }
0x6f: {  	_ =	shalt  }
0x70: {  	_ =	shalt  }
0x71: {  	_ =	shalt  }
0x72: {  	_ =	shalt  }
0x73: {  	_ =	shalt  }
0x74: {  	_ =	shalt  }
0x75: {  	_ =	shalt  }
0x76: {  	_ =	shalt  }
0x77: {  	_ =	shalt  }
0x78: {  	_ =	shalt  }
0x79: {  	_ =	shalt  }
0x7a: {  	_ =	shalt  }
0x7b: {  	_ =	shalt  }
0x7c: {  	_ =	shalt  }
0x7d: {  	_ =	shalt  }
0x7e: {  	_ =	shalt  }
0x7f: {  	_ =	shalt  }
0x80: {  	_ =	shalt  }
0x81: {  	_ =	shalt  }
0x82: {  	_ =	shalt  }
0x83: {  	_ =	shalt  }
0x84: {  	_ =	shalt  }
0x85: {  	_ =	shalt  }
0x86: {  	_ =	shalt  }
0x87: {  	_ =	shalt  }
.Lfunc_end0:
.L_simem_size_0:
called_computation_lowered:
.L_overlay_start_0:
0x88: {  	s2 =	sld [smem:$0x3FD9]  }
0x89: {  	s3 =	sld [smem:$0x3FFE];
	_ =	sdelay $0x1  }
0x8a: {  	s1 =	srdreg.scid  }
0x8b: {  	s0 =	sand.u32 $0x1, s1  }
0x8c: {  	s16 =	sshll.u32 s0, $0xA;
	s2 =	sadd.s32 s3, s2  }
0x8d: {  	s2 =	sadd.s32 s2, s16  }
0x8e: {  	[smem:$0x3FC4] =	sst s2  }
0x8f: {  	_ = 	snop  }
0x90: {  	(tm) =	ssettm $0x1  }
0x91: {  	s17 =	sld [smem:$0x3FFB];
	_ =	sdelay $0x3  }
0x92: {  	_ =	strace s17  }
0x93: {  	s2 =	sld [smem:$0x3FFC];
	_ =	sdelay $0x3  }
0x94: {  	_ =	strace s2  }
0x95: {  	s2 =	sld [smem:$0x3FFD];
	_ =	sdelay $0x3  }
0x96: {  	_ =	strace s2  }
0x97: {  	_ =	strace $0x8FFFFFFF  }
0x98: {  	s18 =	sld [smem:$0x3FDB];
	_ =	sdelay $0x1  }
0x99: {  	s19 =	simm.s32 $_scs_section_size  }
0x9a: {  	s4 =	simm.s32 $_size__tile_overlayer_lowered;
	s5 =	simm.s32 $_tile_overlayer_lowered  }
0x9b: {  	s22 =	simm.s32 $0x1BFF;
	s21 =	sshll.u32 s5, $0x1;
	s2 =	sadd.s32 s19, s18  }
0x9c: {  	s6 =	simm.s32 $0x0;
	s20 =	sshll.u32 s4, $0x1;
	s4 =	sadd.s32 s21, s2  }
0x9d: {  	[timem:s6], [sflag:s22] =	dma.local [hbm:s4], s20  }
0x9e: {  	_ =	swait.ge [sflag:s22], s20  }
0x9f: {  	s3 =	ssub.s32 $0x0, s20;
	[sflag:s22] =	ssyncset.done $0x0  }
0xa0: {  	[sflag:s22] =	ssyncadd.s32 s3;
	_ =	sdelay $0x1  }
0xa1: {  	s23 =	simm.s32 $0x1B8B  }
0xa2: {  	_ =	swait.ge [sflag:s23], $0x1  }
0xa3: {  	[sflag:s23] =	ssyncset.done $0x0  }
0xa4: {  	s25 =	simm.s32 $0x1B8E;
	s24 =	sld [smem:$0x3FFE];
	[sflag:s23] =	ssyncadd.s32 $0xFFFFFFFF  }
0xa5: {  	s26 =	simm.s32 $execute0_lowered;
	[smem:$0x3FD2] =	sst s25  }
0xa6: {  	s4 =	sshll.u32 s26, $0x1;
	_ =	strace $0x80000046;
	[dreg:$0x1] =	wrdreg $0xFFFFFFFF  }
0xa7: {  	s28 =	simm.s32 $_size_execute0_lowered;
	s2 =	sadd.s32 s2, s4;
	[dreg:$0x0] =	wrdreg $0x0  }
0xa8: {  	s4 =	sshll.u32 s28, $0x1;
	[dreg:$0x2] =	wrdreg s2  }
0xa9: {  	[dreg:$0x3] =	wrdreg s4  }
0xaa: {  	[dreg:$0x4] =	wrdreg $0xC0  }
0xab: {  	_ =	task [dreg:s6], $0x5FFFF  }
0xac: {  	[dreg:$0x1] =	wrdreg $0xFFFFFFFF  }
0xad: {  	[dreg:$0x0] =	wrdreg $0x60  }
0xae: {  	[dreg:$0x2] =	wrdreg s24  }
0xaf: {  	[dreg:$0x3] =	wrdreg $0x9  }
0xb0: {  	_ =	task.clear_ibuf [dreg:s6], $0x4FFFF;
	_ =	strace $0x90000046  }
0xb1: {  	s29 =	simm.s32 $0x9;
	_ =	strace $0x80000048  }
0xb2: {  	_ =	swait.ge [sflag:s29], $0x1  }
0xb3: {  	[sflag:s29] =	ssyncadd.s32 $0xFFFFFFFF  }
0xb4: {  	_ =	strace $0x90000048  }
0xb5: {  	_ =	sfence  }
0xb6: {  	s30 =	sld [smem:$0x0];
	_ =	sdelay $0x2  }
0xb7: {  	s31 =	sshll.u32 s1, $0xD;
	s1 =	sshrl.u32 s1, $0x2  }
0xb8: {  	s3 =	sand.u32 $0x4000, s31;
	s1 =	sadd.s32 s1, s30  }
0xb9: {  	s0 =	sor.u32 s3, s0;
	s1 =	sshll.u32 s1, $0x11  }
0xba: {  	s0 =	sor.u32 s1, s0  }
0xbb: {  	s0 =	sadd.s32 $0x8F2B, s0  }
0xbc: {  	[sflag:s0] =	ssyncadd.remote.s32 $0x1  }
0xbd: {  	_ =	sfence.sel $0xFFFF  }
0xbe: {  	[dreg:$0x0] =	wrdreg $0xFFFFFFFF;
	(pc) =	sbr.abs _section_cstart, $3  }
0xbf: {  	[dreg:$0x1] =	wrdreg $0xFFFFFFFF  }
0xc0: {  	_ =	task.clear_ibuf [dreg:s6], $0x2FFFF;
	_ =	strace $0x9FFFFFFF  }
0xc1: {  	(tm) =	ssettm $0x7FFFFFFF  }
tec
execute0_lowered:
.L_overlay_start_1:
0x0: {  	(tag) =	ssettag $0x1  }
0x1: {  	s1 =	srdreg.scid  }
0x2: {  	s0 =	stileid.u32;
	s5 =	rddreg [dreg:$0x0];
	s2 =	simm.s32 $0x0  }
0x3: {  	s8 =	sand.u32 $0x1, s1;
	s9 =	sshrl.u32 s0, $0x3;
	s4 =	sand.u32 $0x7, s0  }
0x4: {  	[smem:$0x7FF] =	sst s2;
	s14 =	sshll.u32 s0, $0x8;
	s1 =	sshll.u32 s8, $0x1  }
0x5: {  	s11 =	sshll.u32 s4, $0xA;
	_ =	strace $0x80000047;
	s4 =	sshll.u32 s4, $0x4  }
0x6: {  	s7 =	ssub.s32 $0x2, s8;
	s29 =	sshll.u32 s8, $0xE;
	s10 =	sor.u32 s9, s1  }
0x7: {  	s12 =	sadd.s32 s4, s5;
	s4 =	sadd.s32 $0x3200, s5;
	s30 =	sshrl.u32 s7, $0x1  }
0x8: {  	s1 =	sshll.u32 s8, $0xC;
	s3 =	sshll.u32 s10, $0xD;
	s13 =	ssub.s32 s7, s30  }
0x9: {  	s31 =	sshll.u32 s10, $0x7;
	s30 =	sshll.u32 s9, $0xD;
	s8 =	sshll.u32 s10, $0x8  }
0xa: {  	s3 =	sor.u32 s11, s3;
	s7 =	sadd.s32 s31, s12;
	s12 =	sor.u32 s14, s1  }
0xb: {  	s9 =	smax.u32 s13, $0x1;
	s31 =	sor.u32 s30, s29;
	s13 =	simm.s32 $0x400  }
0xc: {  	s3 =	sshrl.u32 s3, $0x3;
	s7 =	sadd.s32 $0x2E00, s7;
	s14 =	sadd.s32 $0x400, s12  }
0xd: {  	s15 =	sadd.s32 $0x410, s12;
	s16 =	sadd.s32 $0x420, s12;
	s17 =	sadd.s32 $0x430, s12  }
0xe: {  	s18 =	sadd.s32 $0x440, s12;
	s19 =	sadd.s32 $0x450, s12;
	s20 =	sadd.s32 $0x460, s12  }
0xf: {  	v0 =	vlaneseq.u32;
	s21 =	sadd.s32 $0x470, s12;
	s22 =	sadd.s32 $0x480, s12;
	s23 =	sadd.s32 $0x490, s12  }
0x10: {  	vm0 =	vmmov $0x1;
	vm1 =	vcmask $0x308;
	vm2 =	vcmask $0x70C;
	s24 =	sadd.s32 $0x4A0, s12;
	s25 =	sadd.s32 $0x4B0, s12;
	s26 =	sadd.s32 $0x4E0, s12  }
0x11: {  	v18 =	vimm.s32 $0x0;
	v8 =	vmov s10;
	s28 =	sadd.s32 $0x4F0, s12;
	s10 =	sor.u32 s11, s31;
	s11 =	simm.s32 $0x2;
	v1 =	vor.u32 s14, v0  }
0x12: {  	s6 =	sadd.s32 s3, s5;
	s3 =	sadd.s32 $0x3000, s5;
	v2 =	vor.u32 s15, v0;
	v3 =	vor.u32 s16, v0;
	s15 =	sadd.s32 $0x4C0, s12;
	v4 =	vor.u32 s17, v0  }
0x13: {  	s16 =	sadd.s32 $0x4D0, s12;
	v5 =	vor.u32 s18, v0;
	v6 =	vor.u32 s19, v0;
	v7 =	vor.u32 s20, v0;
	s12 =	simm.s32 $0x200;
	s14 =	simm.s32 $0x480  }
0x14: {  	v9 =	vor.u32 s21, v0;
	v10 =	vor.u32 s22, v0;
	v11 =	vor.u32 s23, v0;
	s17 =	simm.s32 $0x80;
	s18 =	simm.s32 $0x1;
	s19 =	simm.s32 $0x580  }
0x15: {  	v12 =	vor.u32 s24, v0;
	v13 =	vor.u32 s25, v0;
	v16 =	vor.u32 s26, v0;
	s20 =	simm.s32 $0x680;
	s21 =	simm.s32 $0x0;
	s5 =	sadd.s32 $0x1E00, s6  }
0x16: {  	v17 =	vor.u32 s28, v0;
	s6 =	sadd.s32 $0x1E40, s6;
	v14 =	vor.u32 s15, v0;
	v15 =	vor.u32 s16, v0;
	s15 =	simm.s32 $0x600;
	s16 =	simm.s32 $0x500  }
.LBB2_1:
0x17: {  	[tilespmem:s2], [sflag:$0x2] =	stream.linear.gather [hbm4b:s5+s2], $0x200, $0x38;
	[tilespmem:$0x700] =	vst v63  }
0x18: {  	_ =	swait.ge [sflag:s11], $0x200  }
0x19: {  	[sflag:s11] =	ssyncset.done $0x0  }
0x1a: {  	[sflag:s11] =	ssyncadd.s32 $0xFFFFFE00  }
0x1b: {  	[tilespmem:s12], [sflag:$0x2] =	stream.linear.gather [hbm4b:s6+s2], $0x200, $0x38;
	[tilespmem:$0x700] =	vst v63  }
0x1c: {  	_ =	swait.ge [sflag:s11], $0x200  }
0x1d: {  	[sflag:s11] =	ssyncset.done $0x0  }
0x1e: {  	[sflag:s11] =	ssyncadd.s32 $0xFFFFFE00  }
0x1f: {  	[tilespmem:s13], [sflag:$0x2] =	stream.linear.gather [hbm4b:s3+s2], $0x80, $0x38;
	[tilespmem:$0x700] =	vst v63  }
0x20: {  	_ =	swait.ge [sflag:s11], $0x80  }
0x21: {  	[sflag:s11] =	ssyncset.done $0x0  }
0x22: {  	[sflag:s11] =	ssyncadd.s32 $0xFFFFFF80  }
0x23: {  	v19 =	vld.idx.msk [tilespmem:v8+s13+$0x0], $0xffff;
	[tilespmem:s14], [sflag:$0x2] =	stream.linear.gather [hbm4b:s7+s2], $0x80, $0x38  }
0x24: {  	_ =	swait.ge [sflag:s11], $0x80  }
0x25: {  	[sflag:s11] =	ssyncset.done $0x0  }
0x26: {  	[sflag:s11] =	ssyncadd.s32 $0xFFFFFF80  }
0x27: {  	[tilespmem:$0x500] =	vst v1  }
0x28: {  	[tilespmem:$0x510] =	vst v2  }
0x29: {  	[tilespmem:$0x520] =	vst v3  }
0x2a: {  	[tilespmem:$0x530] =	vst v4  }
0x2b: {  	[tilespmem:$0x540] =	vst v5  }
0x2c: {  	v20 =	vld [tilespmem:$0x480];
	[tilespmem:$0x550] =	vst v6  }
0x2d: {  	[tilespmem:$0x560] =	vst v7  }
0x2e: {  	[tilespmem:$0x570] =	vst v9  }
0x2f: {  	[tilespmem:$0x580] =	vst v10  }
0x30: {  	[tilespmem:$0x590] =	vst v11  }
0x31: {  	[tilespmem:$0x5A0] =	vst v12;
	v21 =	vnsel vm0, $0x0, v20  }
0x32: {  	[tilespmem:$0x5B0] =	vst v13;
	(xrf0) =	vadd.scan.msk.s32 $0xffff, v21;
	v21 =	vsel vm1, $0x0, v20  }
0x33: {  	[tilespmem:$0x5C0] =	vst v14;
	(xrf0) =	vadd.scan.msk.s32 $0xffff, v21  }
0x34: {  	[tilespmem:$0x5D0] =	vst v15  }
0x35: {  	[tilespmem:$0x5E0] =	vst v16  }
0x36: {  	s22 =	simm.s32 $0x0;
	[tilespmem:$0x5F0] =	vst v17;
	v20 =	vsel vm2, $0x0, v20  }
0x37: {  	(xrf0) =	vadd.scan.msk.s32 $0xffff, v20;
	v20 =	vld [tilespmem:s22+$0x0]  }
0x38: {  	v21, _, _ =	vpop (xrf0)  }
0x39: {  	(v2sf) =	vpush v21, $0xF;
	v21, _, _ =	vpop (xrf0)  }
0x3a: {  	(v2sf) =	vpush v21, $0xF;
	_ =	sdelay $0x1  }
0x3b: {  	vm4 =	vgt.f32 v20, v19  }
0x3c: {  	v21, _, _ =	vpop (xrf0);
	v22 =	vsel vm4, $0x1, v18  }
0x3d: {  	(v2sf) =	vpush v21, $0xF;
	(xrf0) =	vadd.scan.msk.s32 $0xffff, v22;
	_ =	sdelay $0x3  }
0x3e: {  	vm3 =	veq.f32 v20, v19  }
0x3f: {  	v20 =	vsel vm3, $0x1, v18  }
0x40: {  	v21, _, _ =	vpop (xrf0);
	(xrf0) =	vadd.scan.msk.s32 $0xffff, v20;
	_ =	sdelay $0x3  }
0x41: {  	s23 =	spop (v2sf)  }
0x42: {  	s22 =	spop (v2sf)  }
0x43: {  	(v2sf) =	vpush v21, $0xF;
	v22, _, _ =	vpop (xrf0);
	s24 =	sadd.s32 $0x0, s22  }
0x44: {  	(v2sf) =	vpush v22, $0xF;
	v20 =	vmov s24  }
0x45: {  	v20 =	vadd.s32 $0xFFFFFFFF, v20  }
0x46: {  	s25 =	spop (v2sf);
	v23 =	vbroadcast v20, $0x0  }
0x47: {  	s30 =	ssub.s32 $0x100, s25  }
0x48: {  	v20 =	vmov s30;
	v25 =	vadd.s32 v22, v23  }
0x49: {  	vm5 =	vlt.s32 v25, v20  }
0x4a: {  	vm3 =	vmand vm3, vm5  }
0x4b: {  	v22 =	vsel vm3, $0x1, v18  }
0x4c: {  	(xrf0) =	vadd.scan.msk.s32 $0xffff, v22;
	_ =	sdelay $0x5  }
0x4d: {  	s0 =	spop (v2sf);
	v26, _, _ =	vpop (xrf0)  }
0x4e: {  	s1 =	spop (v2sf);
	(v2sf) =	vpush v26, $0xF;
	_ =	sdelay $0x1  }
0x4f: {  	v22 =	vmov s2  }
0x50: {  	s29 =	sadd.s32 $0x0, s0;
	v22 =	vadd.s32 $0xFFFFFFFF, v22  }
0x51: {  	v23 =	vmov s29;
	v22 =	vbroadcast v22, $0x0  }
0x52: {  	s24 =	sadd.s32 s8, s23;
	v23 =	vadd.s32 $0xFFFFFFFF, v23  }
0x53: {  	s23 =	sadd.s32 $0x0, s24;
	v23 =	vbroadcast v23, $0x0;
	v22 =	vadd.s32 v21, v22  }
0x54: {  	v24 =	vmov s23  }
0x55: {  	v27 =	vadd.s32 $0xFFFFFFFF, v24;
	v24 =	vadd.s32 v26, v23  }
0x56: {  	v23 =	vbroadcast v27, $0x0  }
0x57: {  	s26 =	sadd.s32 s8, s25;
	s25 =	sadd.s32 $0x0, s1;
	v27 =	vor.u32 s10, v0  }
0x58: {  	s30 =	sadd.s32 s22, s25;
	v23 =	vadd.s32 v21, v23;
	v21 =	vmov s26;
	[tilespmem:v22+s15+$0x0] =	vst.idx.msk vm4, v27;
	s26 =	sadd.s32 s29, s24  }
0x59: {  	s31 =	simm.s32 $0x80;
	[tilespmem:v22+s16+$0x0] =	vst.idx.msk vm4, v23;
	v22 =	vmov s26;
	v23 =	vmov s30  }
0x5a: {  	s23 =	sadd.s32 $0x10, s10;
	s28 =	smov.u32 s29;
	s26 =	simm.s32 $0x40;
	v25 =	vadd.s32 v21, v25;
	v22 =	vadd.s32 $0xFFFFFFFF, v22;
	v23 =	vadd.s32 $0xFFFFFFFF, v23;
	[tilespmem:v24+s15+$0x0] =	vst.idx.msk vm3, v27  }
.LBB2_2:
0x5b: {  	s1 =	sshra.s32 s26, $0x2  }
0x5c: {  	[tilespmem:v24+s16+$0x0] =	vst.idx.msk vm3, v25;
	s0 =	spop (v2sf);
	s26 =	smov.u32 s31;
	s30 =	sadd.s32 $0x40, s31  }
0x5d: {  	p0 =	sne.s32 s31, $0xFC0;
	v24 =	vld [tilespmem:s1+$0x0];
	s0 =	sadd.s32 s29, s0  }
0x5e: {  	v25 =	vmov s0  }
0x5f: {  	v25 =	vadd.s32 $0xFFFFFFFF, v25;
	_ =	sdelay $0x2  }
0x60: {  	vm4 =	vgt.f32 v24, v19;
	vm3 =	veq.f32 v24, v19  }
0x61: {  	v24 =	vsel vm4, $0x1, v18;
	v26 =	vsel vm3, $0x1, v18  }
0x62: {  	(xrf0) =	vadd.scan.msk.s32 $0xffff, v24  }
0x63: {  	(xrf0) =	vadd.scan.msk.s32 $0xffff, v26;
	_ =	sdelay $0x3  }
0x64: {  	v23 =	vbroadcast v23, $0x0;
	v24 =	vbroadcast v25, $0x0  }
0x65: {  	v25, _, _ =	vpop (xrf0)  }
0x66: {  	v24 =	vadd.s32 v25, v24;
	(v2sf) =	vpush v25, $0xF;
	v26, _, _ =	vpop (xrf0)  }
0x67: {  	v27 =	vadd.s32 v26, v23;
	(v2sf) =	vpush v26, $0xF  }
0x68: {  	vm5 =	vlt.s32 v27, v20  }
0x69: {  	v22 =	vbroadcast v22, $0x0;
	vm3 =	vmand vm3, vm5  }
0x6a: {  	v26 =	vor.u32 s23, v0;
	v23 =	vsel vm3, $0x1, v18  }
0x6b: {  	v22 =	vadd.s32 v25, v22;
	[tilespmem:v24+s15+$0x0] =	vst.idx.msk vm4, v26;
	(xrf0) =	vadd.scan.msk.s32 $0xffff, v23  }
0x6c: {  	[tilespmem:v24+s16+$0x0] =	vst.idx.msk vm4, v22;
	_ =	sdelay $0x4  }
0x6d: {  	v24, _, _ =	vpop (xrf0)  }
0x6e: {  	(v2sf) =	vpush v24, $0xF;
	_ =	sdelay $0x2  }
0x6f: {  	s1 =	spop (v2sf)  }
0x70: {  	s29 =	sadd.s32 s0, s1;
	s28 =	sadd.s32 s28, s1;
	s0 =	spop (v2sf)  }
0x71: {  	s1 =	sadd.s32 s28, s24;
	v22 =	vmov s29;
	s25 =	sadd.s32 s25, s0  }
0x72: {  	v23 =	vmov s1;
	s0 =	sadd.s32 s22, s25;
	v25 =	vadd.s32 $0xFFFFFFFF, v22  }
0x73: {  	v22 =	vadd.s32 $0xFFFFFFFF, v23;
	v23 =	vmov s0;
	v25 =	vbroadcast v25, $0x0  }
0x74: {  	v23 =	vadd.s32 $0xFFFFFFFF, v23  }
0x75: {  	v24 =	vadd.s32 v24, v25  }
.Ltmp0:
0x76: {  	(pc) =	sbr.rel @p0 .LBB2_2-.Ltmp0, $2  }
0x77: {  	_ =	sdelay $0x2  }
0x78: {  	s31 =	smov.u32 s30;
	s23 =	sadd.s32 $0x10, s23;
	v25 =	vadd.s32 v21, v27;
	[tilespmem:v24+s15+$0x0] =	vst.idx.msk vm3, v26  }
0x79: {  	_ =	sdelay $0x4  }
0x7a: {  	s0 =	sshra.s32 s26, $0x2;
	[tilespmem:v24+s16+$0x0] =	vst.idx.msk vm3, v25  }
0x7b: {  	v24 =	vld [tilespmem:s0+$0x0];
	_ =	sdelay $0x4  }
0x7c: {  	vm3 =	vgt.f32 v24, v19  }
0x7d: {  	vm4 =	veq.f32 v24, v19;
	v19 =	vsel vm3, $0x1, v18  }
0x7e: {  	v24 =	vsel vm4, $0x1, v18;
	(xrf0) =	vadd.scan.msk.s32 $0xffff, v19  }
0x7f: {  	(xrf0) =	vadd.scan.msk.s32 $0xffff, v24;
	_ =	sdelay $0x4  }
0x80: {  	v19 =	vbroadcast v23, $0x0;
	v60, _, _ =	vpop (xrf0)  }
0x81: {  	(v2sf) =	vpush v60, $0xF;
	v24, _, _ =	vpop (xrf0)  }
0x82: {  	v19 =	vadd.s32 v24, v19  }
0x83: {  	vm5 =	vlt.s32 v19, v20  }
0x84: {  	vm4 =	vmand vm4, vm5  }
0x85: {  	v20 =	vsel vm4, $0x1, v18  }
0x86: {  	(xrf0) =	vadd.scan.msk.s32 $0xffff, v20;
	_ =	sdelay $0x5  }
0x87: {  	(v2sf) =	vpush v24, $0xF;
	v20, _, _ =	vpop (xrf0)  }
0x88: {  	(v2sf) =	vpush v20, $0xF  }
0x89: {  	s28 =	spop (v2sf)  }
0x8a: {  	s0 =	sadd.s32 s29, s28  }
0x8b: {  	v61 =	vmov s0;
	s1 =	spop (v2sf)  }
0x8c: {  	v24 =	vadd.s32 $0xFFFFFFFF, v61;
	s0 =	sadd.s32 s0, s1  }
0x8d: {  	v24 =	vbroadcast v24, $0x0;
	v62 =	vmov s0  }
0x8e: {  	v25 =	vadd.s32 $0xFFFFFFFF, v62  }
0x8f: {  	v24 =	vadd.s32 v60, v24;
	v25 =	vbroadcast v25, $0x0;
	_ =	sdelay $0x1  }
0x90: {  	v20 =	vadd.s32 v20, v25  }
0x91: {  	v22 =	vbroadcast v22, $0x0  }
0x92: {  	v63 =	vor.u32 s23, v0  }
0x93: {  	v22 =	vadd.s32 v60, v22;
	[tilespmem:v24+s15+$0x0] =	vst.idx.msk vm3, v63  }
0x94: {  	[tilespmem:v24+s16+$0x0] =	vst.idx.msk vm3, v22  }
0x95: {  	v19 =	vadd.s32 v21, v19;
	s30 =	spop (v2sf);
	[tilespmem:v20+s15+$0x0] =	vst.idx.msk vm4, v63  }
0x96: {  	[tilespmem:v20+s16+$0x0] =	vst.idx.msk vm4, v19;
	s31 =	spop (v2sf)  }
0x97: {  	[hbm4b:s4+s17] =	stream.indirect.scatter [tilespmem:s15], [sflag:$0x1], $0x1, s16, s17, $0xb8;
	[tilespmem:$0x700] =	vst v63  }
0x98: {  	s21 =	sadd.s32 $0x1, s21;
	_ =	swait.ge [sflag:s18], $0x80  }
0x99: {  	p0 =	sne.s32 s21, s9;
	[sflag:s18] =	ssyncset.done $0x0  }
.Ltmp1:
0x9a: {  	[sflag:s18] =	ssyncadd.s32 $0xFFFFFF80;
	(pc) =	sbr.rel @p0 .LBB2_1-.Ltmp1, $4  }
0x9b: {  	[hbm4b:s4+s17] =	stream.indirect.scatter [tilespmem:s20], [sflag:$0x1], $0x1, s19, s17, $0xb8;
	[tilespmem:$0x700] =	vst v63  }
0x9c: {  	_ =	swait.ge [sflag:s18], $0x80  }
0x9d: {  	[sflag:s18] =	ssyncset.done $0x0  }
0x9e: {  	[sflag:s18] =	ssyncadd.s32 $0xFFFFFF80  }
0x9f: {  	_ =	sfence.sel $0x180000  }
0xa0: {  	[bflag:$0x0] =	sbarrier.arrive $0xFFFF  }
0xa1: {  	_ =	strace $0x90000047  }
0xa2: {  	s0 =	stileid.u32;
	[bflag:$0x2] =	sbarrier.arrive $0xFFFF  }
0xa3: {  	p0 =	sne.s32 s0, $0x0;
	s0 =	rddreg [dreg:$0x1]  }
0xa4: {  	s0 =	sadd.s32 @!p0 $0x100000, s0  }
0xa5: {  	[sflag:s0] =	ssyncadd.tile.s32 @!p0 $0x1;
	_ =	shalt  }
.Lfunc_end2:
_tile_overlayer_lowered:
.L_overlay_start_2:
0xa6: {  	(tag) =	ssettag $0x2  }
0xa7: {  	s0 =	rddreg [dreg:$0x0];
	s2 =	stileid.u32  }
0xa8: {  	s1 =	rddreg [dreg:$0x1];
	p0 =	sne.s32 s2, $0x0  }
0xa9: {  	s3 =	rddreg [dreg:$0x2];
	[bflag:$0x3] =	sbarrier.arrive $0xFFFF;
	s2 =	simm.s32 @!p0 $0x1C02  }
0xaa: {  	[timem:s3], [sflag:s2] =	dma.local @!p0 [hbm:s0], s1  }
0xab: {  	s0 =	simm.s32 @!p0 $0x2  }
0xac: {  	_ =	swait.ge @!p0 [sflag:s0], s1  }
0xad: {  	s1 =	ssub.s32 @!p0 $0x0, s1;
	[sflag:s0] =	ssyncset.done @!p0 $0x0  }
0xae: {  	[sflag:s0] =	ssyncadd.s32 @!p0 s1  }
0xaf: {  	[bflag:$0x3] =	sbarrier.arrive $0xFFFF  }
0xb0: {  	_ =	shalt  }

</sc_bundles>
